<compile_context>
chip_gen: v7x
topology: tpu7x:2x2x1
jax: 0.10.2.dev20260603
libtpu: 0.0.44.dev20260713+nightly
codegen_flags: <defaults>
</compile_context>

<pallas_src>
import functools

import jax
import jax.numpy as jnp
from jax import lax
from jax.experimental import pallas as pl
from jax.experimental.pallas import tpu as pltpu
from jax.experimental.pallas import tpu_sc as plsc

NUM_CLASSES = 100000
ALPHA = 0.9
TOPRATIO = 0.01
BATCH = 1024

CLAMP_LO = -25.0
CLAMP_HI = 25.0
NB = 1024
CBLK = 1024
SC_CH = 100000
N_WORKERS = 32


def _sc_hist_body(x_hbm, out_hbm, dbuf, h16, hmerge, *, ncols, rows_per):
    wid = lax.axis_index("s") * 2 + lax.axis_index("c")
    lanes = lax.iota(jnp.int32, 16)
    ones16 = jnp.ones((16,), jnp.float32)
    invw = jnp.float32(NB / (CLAMP_HI - CLAMP_LO))
    nchunks = ncols // SC_CH

    def do_row(ri, _):
        row = wid * rows_per + ri

        def zero_body(j, _):
            h16[pl.ds(j * 16, 16)] = jnp.zeros((16,), jnp.float32)
            return 0
        lax.fori_loop(0, NB, zero_body, 0)

        def chunk_body(ch, _):
            pltpu.sync_copy(
                x_hbm.at[pl.ds(row * ncols + ch * SC_CH, SC_CH)], dbuf)

            unroll = 25

            def inner(i, _):
                for u in range(unroll):
                    v = dbuf[pl.ds((i * unroll + u) * 16, 16)]
                    xc = jnp.minimum(jnp.maximum(v, CLAMP_LO), CLAMP_HI)
                    binf = (xc - CLAMP_LO) * invw
                    b = jnp.minimum(binf.astype(jnp.int32), NB - 1)
                    plsc.addupdate_scatter(h16, [b * 16 + lanes], ones16)
                return 0
            lax.fori_loop(0, SC_CH // 16 // unroll, inner, 0)
            return 0
        lax.fori_loop(0, nchunks, chunk_body, 0)

        def merge_body(j, _):
            base = j * 256 + lanes * 16
            acc = plsc.load_gather(h16, [base])
            for i in range(1, 16):
                acc = acc + plsc.load_gather(h16, [base + i])
            hmerge[pl.ds(j * 16, 16)] = acc
            return 0
        lax.fori_loop(0, NB // 16, merge_body, 0)

        pltpu.sync_copy(hmerge, out_hbm.at[pl.ds(row * NB, NB)])
        return 0
    lax.fori_loop(0, rows_per, do_row, 0)


def _sc_hist(x):
    nrows, ncols = x.shape
    rows_per = nrows // N_WORKERS
    x1d = x.reshape(nrows * ncols)
    body = functools.partial(_sc_hist_body, ncols=ncols, rows_per=rows_per)
    out = pl.kernel(
        body,
        out_type=jax.ShapeDtypeStruct((nrows * NB,), jnp.float32),
        mesh=plsc.VectorSubcoreMesh(core_axis_name="c", subcore_axis_name="s"),
        scratch_types=[
            pltpu.VMEM((SC_CH,), jnp.float32),
            pltpu.VMEM((NB * 16,), jnp.float32),
            pltpu.VMEM((NB,), jnp.float32),
        ],
        compiler_params=pltpu.CompilerParams(needs_layout_passes=False),
    )(x1d)
    return out.reshape(nrows, NB)


def _tc_body(hist_ref, x_ref, tgt_ref, out_ref, rng_ref, fin_ref, *,
             nrows, ncols, cblk, ncb, k, alpha):
    i = pl.program_id(0)
    kf = jnp.float32(k)

    @pl.when(i == 0)
    def _():
        cnt = hist_ref[...]
        r_i = lax.broadcasted_iota(jnp.int32, (NB, NB), 0)
        c_i = lax.broadcasted_iota(jnp.int32, (NB, NB), 1)
        lt = (r_i <= c_i).astype(jnp.float32)
        cum = jnp.dot(cnt, lt, preferred_element_type=jnp.float32)
        tot = cum[:, NB - 1:NB]
        jstar = jnp.sum((cum < tot - kf).astype(jnp.float32),
                        axis=1, keepdims=True)
        w = jnp.float32((CLAMP_HI - CLAMP_LO) / NB)
        lo = CLAMP_LO + jstar * w
        rng_ref[:, 0:1] = lo
        rng_ref[:, 1:2] = lo + w
        fin_ref[...] = jnp.zeros_like(fin_ref)
        out_ref[...] = jnp.zeros((1, 1), jnp.float32)

    @pl.when(i > 0)
    def _():
        cb = i - 1
        x = x_ref[...]
        tgt = tgt_ref[...]
        cols = lax.broadcasted_iota(jnp.int32, (nrows, cblk), 1) + cb * cblk
        valid = cols < ncols
        is_t = cols == tgt
        xc = jnp.where(is_t | ~valid, CLAMP_LO,
                       jnp.clip(x, CLAMP_LO, CLAMP_HI))
        lo = rng_ref[:, 0:1]
        hi = rng_ref[:, 1:2]
        sp = jnp.maximum(x, 0.0) + jnp.log1p(jnp.exp(-jnp.abs(x)))
        m = jnp.where(valid, sp, 0.0)
        above = (xc > hi).astype(jnp.float32)
        inbin = ((xc > lo) & (xc <= hi)).astype(jnp.float32)
        fin_ref[:, 0:1] += jnp.sum(m * above, axis=1, keepdims=True)
        fin_ref[:, 1:2] += jnp.sum(above, axis=1, keepdims=True)
        fin_ref[:, 2:3] += jnp.sum(m * inbin, axis=1, keepdims=True)
        fin_ref[:, 3:4] += jnp.sum(inbin, axis=1, keepdims=True)
        fin_ref[:, 4:5] += jnp.sum(
            jnp.where(is_t & valid, x - sp, 0.0), axis=1, keepdims=True)

    @pl.when(i == ncb)
    def _():
        s_above = fin_ref[:, 0:1]
        a = fin_ref[:, 1:2]
        bin_sum = fin_ref[:, 2:3]
        bin_cnt = fin_ref[:, 3:4]
        pos = fin_ref[:, 4:5]
        rem = jnp.maximum(kf - a, 0.0)
        avg = bin_sum / jnp.maximum(bin_cnt, 1.0)
        s = s_above + rem * avg
        total = (-1.0 / nrows) * jnp.sum(pos) + \
                (alpha / (nrows * kf)) * jnp.sum(s)
        out_ref[...] = total.reshape(1, 1)


def _tc_final(x, targets, hist, *, k, cblk=CBLK, alpha=ALPHA,
              interpret=False):
    nrows, ncols = x.shape
    ncb = (ncols + cblk - 1) // cblk
    tgt2 = targets.reshape(nrows, 1).astype(jnp.int32)
    body = functools.partial(_tc_body, nrows=nrows, ncols=ncols, cblk=cblk,
                             ncb=ncb, k=k, alpha=alpha)
    out = pl.pallas_call(
        body,
        grid=(ncb + 1,),
        in_specs=[
            pl.BlockSpec((nrows, NB), lambda i: (0, 0)),
            pl.BlockSpec((nrows, cblk),
                         lambda i: (0, jnp.maximum(i - 1, 0))),
            pl.BlockSpec((nrows, 1), lambda i: (0, 0)),
        ],
        out_specs=pl.BlockSpec((1, 1), lambda i: (0, 0)),
        out_shape=jax.ShapeDtypeStruct((1, 1), jnp.float32),
        scratch_shapes=[
            pltpu.VMEM((nrows, 2), jnp.float32),
            pltpu.VMEM((nrows, 8), jnp.float32),
        ],
        compiler_params=pltpu.CompilerParams(
            dimension_semantics=("arbitrary",)),
        interpret=interpret,
    )(hist, x, tgt2)
    return out[0, 0]


def kernel(inputs, targets):
    k = int(NUM_CLASSES * TOPRATIO)
    hist = _sc_hist(inputs)
    return _tc_final(inputs, targets, hist, k=k)

# --- scband reference (transcript-rebuilt; emitter-appended) ---
"""Pipeline reference for scband-hs-lr-10599979286548 (READ-ONLY COPY).

The authoritative reference and input builder live on the scoring server;
editing this copy changes nothing except your own understanding.
"""

import jax, jax.numpy as jnp
import numpy as np

NUM_CLASSES = 100000
ALPHA = 0.9
TOPRATIO = 0.01
BATCH = 1024

def setup_inputs(seed: int = 0) -> dict:
    key = jax.random.key(seed)
    k1, k2 = jax.random.split(key)
    inputs = jax.random.normal(k1, (BATCH, NUM_CLASSES), dtype=jnp.float32)
    targets = jax.random.randint(k2, (BATCH,), 0, NUM_CLASSES, dtype=jnp.int32)
    return {"inputs": inputs, "targets": targets}

def reference(inputs, targets):
    eps = 1e-07
    probs = jax.nn.sigmoid(inputs)
    # scatter 1s at target positions -> one-hot targets matrix
    t = jnp.zeros(probs.shape, dtype=probs.dtype).at[jnp.arange(probs.shape[0]), targets].set(1.0)
    pred_p = jnp.log(probs + eps)
    pred_n = jnp.log(1.0 - probs + eps)
    topk = int(NUM_CLASSES * TOPRATIO)
    count_pos = t.sum()
    hard_neg_loss = -1.0 * (1.0 - t) * pred_n
    topk_vals, _ = jax.lax.top_k(hard_neg_loss, topk)
    topk_neg_loss = -1.0 * topk_vals
    loss = (t * pred_p).sum() / count_pos + ALPHA * topk_neg_loss.mean()
    return -1.0 * loss

if __name__ == "__main__":
    import jax
    _d = setup_inputs()
    print(jax.jit(kernel)(*tuple(_d.values())))

</pallas_src>

<mosaic_0001>
#map = affine_map<(d0, d1) -> (0)>
module attributes {stable_mosaic.version = 14 : i64} {
  func.func @_sc_hist_body(%arg0: i32, %arg1: i32, %arg2: memref<102400000xf32, #tpu.memory_space<hbm>>, %arg3: memref<1048576xf32, #tpu.memory_space<hbm>>, %arg4: memref<100000xf32, #tpu.memory_space<vmem>>, %arg5: memref<16384xf32, #tpu.memory_space<vmem>>, %arg6: memref<1024xf32, #tpu.memory_space<vmem>>) attributes {dimension_semantics = [#tpu.dimension_semantics<core_parallel>, #tpu.dimension_semantics<subcore_parallel>], iteration_bounds = array<i64: 2, 16>, scalar_prefetch = 0 : i64, scratch_operands = 3 : i64, tpu.core_type = #tpu.core_type<sc_vector_subcore>, window_params = [{transform_indices = #map}, {transform_indices = #map}]} {
    %mul3A = arith.constant 2 : i32
    %mul3A_0 = arith.muli %arg1, %mul3A : i32
    %add3A = arith.addi %mul3A_0, %arg0 : i32
    %iota3A = tpu.iota {dimensions = array<i32: 0>} : vector<16xi32>
    %broadcast_in_dim3A = arith.constant 1.000000e+00 : f32
    %broadcast_in_dim3A_1 = vector.broadcast %broadcast_in_dim3A : f32 to vector<16xf32>
    %scan3A = arith.constant 2.048000e+01 : f32
    %scan3A_2 = arith.constant 0 : i32
    %scan3A_3 = arith.constant 0 : i32
    %scan3A_4 = arith.constant 32 : i32
    %scan3A_5 = arith.addi %scan3A_3, %scan3A_4 : i32
    %scan3A_6 = arith.constant 1 : i32
    %scan3A_7 = scf.for %scan3A_9 = %scan3A_3 to %scan3A_5 step %scan3A_6 iter_args(%scan3A_10 = %scan3A_2) -> (i32)  : i32 {
      %mul3A_11 = arith.constant 32 : i32
      %mul3A_12 = arith.muli %add3A, %mul3A_11 : i32
      %add3A_13 = arith.addi %mul3A_12, %scan3A_9 : i32
      %scan3A_14 = arith.constant 0 : i32
      %scan3A_15 = arith.constant 0 : i32
      %scan3A_16 = arith.constant 1024 : i32
      %scan3A_17 = arith.addi %scan3A_15, %scan3A_16 : i32
      %scan3A_18 = arith.constant 1 : i32
      %scan3A_19 = scf.for %scan3A_47 = %scan3A_15 to %scan3A_17 step %scan3A_18 iter_args(%scan3A_48 = %scan3A_14) -> (i32)  : i32 {
        %broadcast_in_dim3A_49 = arith.constant 0.000000e+00 : f32
        %broadcast_in_dim3A_50 = vector.broadcast %broadcast_in_dim3A_49 : f32 to vector<16xf32>
        %mul3A_51 = arith.constant 16 : i32
        %mul3A_52 = arith.muli %scan3A_47, %mul3A_51 : i32
        %swap3A = arith.index_cast %mul3A_52 : i32 to index
        %swap3A_53 = tpu.vector_load %arg5[%swap3A] {strides = array<i32>} : memref<16384xf32, #tpu.memory_space<vmem>>, vector<16xf32>,
        tpu.vector_store %arg5[%swap3A], %broadcast_in_dim3A_50 {strides = array<i32>} : memref<16384xf32, #tpu.memory_space<vmem>>, vector<16xf32>,
        %scan3A_54 = arith.constant 0 : i32
        scf.yield %scan3A_54 : i32
      }
      %scan3A_20 = arith.constant 1024 : i32
      %scan3A_21 = arith.constant 0 : i32
      %scan3A_22 = arith.constant 0 : i32
      %mul3A_23 = arith.constant 100000 : i32
      %mul3A_24 = arith.muli %add3A_13, %mul3A_23 : i32
      %mul3A_25 = arith.constant 100000 : i32
      %mul3A_26 = arith.muli %scan3A_22, %mul3A_25 : i32
      %add3A_27 = arith.addi %mul3A_24, %mul3A_26 : i32
      "tpu.region"() ({
        %run_scoped3A = tpu.sem_alloc : memref<!tpu.dma_semaphore, #tpu.memory_space<semaphore_mem>>
        %dma_start3A = tpu.memref_slice %arg2[%add3A_27] : memref<102400000xf32, #tpu.memory_space<hbm>> -> memref<100000xf32, #tpu.memory_space<hbm>>
        %dma_start3A_47 = tpu.memref_slice %arg2[%add3A_27] : memref<102400000xf32, #tpu.memory_space<hbm>> -> memref<100000xf32, #tpu.memory_space<hbm>>
        tpu.enqueue_dma source(%dma_start3A_47 : memref<100000xf32, #tpu.memory_space<hbm>>) target(%arg4 : memref<100000xf32, #tpu.memory_space<vmem>>) target_semaphore(%run_scoped3A : memref<!tpu.dma_semaphore, #tpu.memory_space<semaphore_mem>>)
        %dma_wait3A = tpu.memref_slice %arg2[%add3A_27] : memref<102400000xf32, #tpu.memory_space<hbm>> -> memref<100000xf32, #tpu.memory_space<hbm>>
        %dma_wait3A_48 = tpu.memref_slice %arg2[%add3A_27] : memref<102400000xf32, #tpu.memory_space<hbm>> -> memref<100000xf32, #tpu.memory_space<hbm>>
        tpu.wait_dma2 semaphore(%run_scoped3A : memref<!tpu.dma_semaphore, #tpu.memory_space<semaphore_mem>>) src(%dma_wait3A_48 : memref<100000xf32, #tpu.memory_space<hbm>>) dst(%arg4 : memref<100000xf32, #tpu.memory_space<vmem>>)
        tpu.yield
      }) : () -> ()
      %scan3A_28 = arith.constant 0 : i32
      %scan3A_29 = arith.constant 0 : i32
      %scan3A_30 = arith.constant 250 : i32
      %scan3A_31 = arith.addi %scan3A_29, %scan3A_30 : i32
      %scan3A_32 = arith.constant 1 : i32
      %scan3A_33 = scf.for %scan3A_47 = %scan3A_29 to %scan3A_31 step %scan3A_32 iter_args(%scan3A_48 = %scan3A_28) -> (i32)  : i32 {
        %mul3A_49 = arith.constant 25 : i32
        %mul3A_50 = arith.muli %scan3A_47, %mul3A_49 : i32
        %add3A_51 = arith.constant 0 : i32
        %add3A_52 = arith.addi %mul3A_50, %add3A_51 : i32
        %mul3A_53 = arith.constant 16 : i32
        %mul3A_54 = arith.muli %add3A_52, %mul3A_53 : i32
        %get3A = arith.index_cast %mul3A_54 : i32 to index
        %get3A_55 = tpu.vector_load %arg4[%get3A] {strides = array<i32>} : memref<100000xf32, #tpu.memory_space<vmem>>, vector<16xf32>,
        %max3A = arith.constant -2.500000e+01 : f32
        %max3A_56 = vector.broadcast %max3A : f32 to vector<16xf32>
        %max3A_57 = arith.maximumf %get3A_55, %max3A_56 : vector<16xf32>
        %min3A = arith.constant 2.500000e+01 : f32
        %min3A_58 = vector.broadcast %min3A : f32 to vector<16xf32>
        %min3A_59 = arith.minimumf %max3A_57, %min3A_58 : vector<16xf32>
        %sub3A = arith.constant -2.500000e+01 : f32
        %sub3A_60 = vector.broadcast %sub3A : f32 to vector<16xf32>
        %sub3A_61 = arith.subf %min3A_59, %sub3A_60 : vector<16xf32>
        %mul3A_62 = vector.broadcast %scan3A : f32 to vector<16xf32>
        %mul3A_63 = arith.mulf %sub3A_61, %mul3A_62 : vector<16xf32>
        %convert_element_type3A = arith.fptosi %mul3A_63 : vector<16xf32> to vector<16xi32>
        %min3A_64 = arith.constant 1023 : i32
        %min3A_65 = vector.broadcast %min3A_64 : i32 to vector<16xi32>
        %min3A_66 = arith.minsi %convert_element_type3A, %min3A_65 : vector<16xi32>
        %mul3A_67 = arith.constant 16 : i32
        %mul3A_68 = vector.broadcast %mul3A_67 : i32 to vector<16xi32>
        %mul3A_69 = arith.muli %min3A_66, %mul3A_68 : vector<16xi32>
        %add3A_70 = arith.addi %mul3A_69, %iota3A : vector<16xi32>
        tpu.vector_store_idx %arg5[%add3A_70], %broadcast_in_dim3A_1 {add = true} : memref<16384xf32, #tpu.memory_space<vmem>>[vector<16xi32>], vector<16xf32>,
        %mul3A_71 = arith.constant 25 : i32
        %mul3A_72 = arith.muli %scan3A_47, %mul3A_71 : i32
        %add3A_73 = arith.constant 1 : i32
        %add3A_74 = arith.addi %mul3A_72, %add3A_73 : i32
        %mul3A_75 = arith.constant 16 : i32
        %mul3A_76 = arith.muli %add3A_74, %mul3A_75 : i32
        %get3A_77 = arith.index_cast %mul3A_76 : i32 to index
        %get3A_78 = tpu.vector_load %arg4[%get3A_77] {strides = array<i32>} : memref<100000xf32, #tpu.memory_space<vmem>>, vector<16xf32>,
        %max3A_79 = arith.constant -2.500000e+01 : f32
        %max3A_80 = vector.broadcast %max3A_79 : f32 to vector<16xf32>
        %max3A_81 = arith.maximumf %get3A_78, %max3A_80 : vector<16xf32>
        %min3A_82 = arith.constant 2.500000e+01 : f32
        %min3A_83 = vector.broadcast %min3A_82 : f32 to vector<16xf32>
        %min3A_84 = arith.minimumf %max3A_81, %min3A_83 : vector<16xf32>
        %sub3A_85 = arith.constant -2.500000e+01 : f32
        %sub3A_86 = vector.broadcast %sub3A_85 : f32 to vector<16xf32>
        %sub3A_87 = arith.subf %min3A_84, %sub3A_86 : vector<16xf32>
        %mul3A_88 = vector.broadcast %scan3A : f32 to vector<16xf32>
        %mul3A_89 = arith.mulf %sub3A_87, %mul3A_88 : vector<16xf32>
        %convert_element_type3A_90 = arith.fptosi %mul3A_89 : vector<16xf32> to vector<16xi32>
        %min3A_91 = arith.constant 1023 : i32
        %min3A_92 = vector.broadcast %min3A_91 : i32 to vector<16xi32>
        %min3A_93 = arith.minsi %convert_element_type3A_90, %min3A_92 : vector<16xi32>
        %mul3A_94 = arith.constant 16 : i32
        %mul3A_95 = vector.broadcast %mul3A_94 : i32 to vector<16xi32>
        %mul3A_96 = arith.muli %min3A_93, %mul3A_95 : vector<16xi32>
        %add3A_97 = arith.addi %mul3A_96, %iota3A : vector<16xi32>
        tpu.vector_store_idx %arg5[%add3A_97], %broadcast_in_dim3A_1 {add = true} : memref<16384xf32, #tpu.memory_space<vmem>>[vector<16xi32>], vector<16xf32>,
        %mul3A_98 = arith.constant 25 : i32
        %mul3A_99 = arith.muli %scan3A_47, %mul3A_98 : i32
        %add3A_100 = arith.constant 2 : i32
        %add3A_101 = arith.addi %mul3A_99, %add3A_100 : i32
        %mul3A_102 = arith.constant 16 : i32
        %mul3A_103 = arith.muli %add3A_101, %mul3A_102 : i32
        %get3A_104 = arith.index_cast %mul3A_103 : i32 to index
        %get3A_105 = tpu.vector_load %arg4[%get3A_104] {strides = array<i32>} : memref<100000xf32, #tpu.memory_space<vmem>>, vector<16xf32>,
        %max3A_106 = arith.constant -2.500000e+01 : f32
        %max3A_107 = vector.broadcast %max3A_106 : f32 to vector<16xf32>
        %max3A_108 = arith.maximumf %get3A_105, %max3A_107 : vector<16xf32>
        %min3A_109 = arith.constant 2.500000e+01 : f32
        %min3A_110 = vector.broadcast %min3A_109 : f32 to vector<16xf32>
        %min3A_111 = arith.minimumf %max3A_108, %min3A_110 : vector<16xf32>
        %sub3A_112 = arith.constant -2.500000e+01 : f32
        %sub3A_113 = vector.broadcast %sub3A_112 : f32 to vector<16xf32>
        %sub3A_114 = arith.subf %min3A_111, %sub3A_113 : vector<16xf32>
        %mul3A_115 = vector.broadcast %scan3A : f32 to vector<16xf32>
        %mul3A_116 = arith.mulf %sub3A_114, %mul3A_115 : vector<16xf32>
        %convert_element_type3A_117 = arith.fptosi %mul3A_116 : vector<16xf32> to vector<16xi32>
        %min3A_118 = arith.constant 1023 : i32
        %min3A_119 = vector.broadcast %min3A_118 : i32 to vector<16xi32>
        %min3A_120 = arith.minsi %convert_element_type3A_117, %min3A_119 : vector<16xi32>
        %mul3A_121 = arith.constant 16 : i32
        %mul3A_122 = vector.broadcast %mul3A_121 : i32 to vector<16xi32>
        %mul3A_123 = arith.muli %min3A_120, %mul3A_122 : vector<16xi32>
        %add3A_124 = arith.addi %mul3A_123, %iota3A : vector<16xi32>
        tpu.vector_store_idx %arg5[%add3A_124], %broadcast_in_dim3A_1 {add = true} : memref<16384xf32, #tpu.memory_space<vmem>>[vector<16xi32>], vector<16xf32>,
        %mul3A_125 = arith.constant 25 : i32
        %mul3A_126 = arith.muli %scan3A_47, %mul3A_125 : i32
        %add3A_127 = arith.constant 3 : i32
        %add3A_128 = arith.addi %mul3A_126, %add3A_127 : i32
        %mul3A_129 = arith.constant 16 : i32
        %mul3A_130 = arith.muli %add3A_128, %mul3A_129 : i32
        %get3A_131 = arith.index_cast %mul3A_130 : i32 to index
        %get3A_132 = tpu.vector_load %arg4[%get3A_131] {strides = array<i32>} : memref<100000xf32, #tpu.memory_space<vmem>>, vector<16xf32>,
        %max3A_133 = arith.constant -2.500000e+01 : f32
        %max3A_134 = vector.broadcast %max3A_133 : f32 to vector<16xf32>
        %max3A_135 = arith.maximumf %get3A_132, %max3A_134 : vector<16xf32>
        %min3A_136 = arith.constant 2.500000e+01 : f32
        %min3A_137 = vector.broadcast %min3A_136 : f32 to vector<16xf32>
        %min3A_138 = arith.minimumf %max3A_135, %min3A_137 : vector<16xf32>
        %sub3A_139 = arith.constant -2.500000e+01 : f32
        %sub3A_140 = vector.broadcast %sub3A_139 : f32 to vector<16xf32>
        %sub3A_141 = arith.subf %min3A_138, %sub3A_140 : vector<16xf32>
        %mul3A_142 = vector.broadcast %scan3A : f32 to vector<16xf32>
        %mul3A_143 = arith.mulf %sub3A_141, %mul3A_142 : vector<16xf32>
        %convert_element_type3A_144 = arith.fptosi %mul3A_143 : vector<16xf32> to vector<16xi32>
        %min3A_145 = arith.constant 1023 : i32
        %min3A_146 = vector.broadcast %min3A_145 : i32 to vector<16xi32>
        %min3A_147 = arith.minsi %convert_element_type3A_144, %min3A_146 : vector<16xi32>
        %mul3A_148 = arith.constant 16 : i32
        %mul3A_149 = vector.broadcast %mul3A_148 : i32 to vector<16xi32>
        %mul3A_150 = arith.muli %min3A_147, %mul3A_149 : vector<16xi32>
        %add3A_151 = arith.addi %mul3A_150, %iota3A : vector<16xi32>
        tpu.vector_store_idx %arg5[%add3A_151], %broadcast_in_dim3A_1 {add = true} : memref<16384xf32, #tpu.memory_space<vmem>>[vector<16xi32>], vector<16xf32>,
        %mul3A_152 = arith.constant 25 : i32
        %mul3A_153 = arith.muli %scan3A_47, %mul3A_152 : i32
        %add3A_154 = arith.constant 4 : i32
        %add3A_155 = arith.addi %mul3A_153, %add3A_154 : i32
        %mul3A_156 = arith.constant 16 : i32
        %mul3A_157 = arith.muli %add3A_155, %mul3A_156 : i32
        %get3A_158 = arith.index_cast %mul3A_157 : i32 to index
        %get3A_159 = tpu.vector_load %arg4[%get3A_158] {strides = array<i32>} : memref<100000xf32, #tpu.memory_space<vmem>>, vector<16xf32>,
        %max3A_160 = arith.constant -2.500000e+01 : f32
        %max3A_161 = vector.broadcast %max3A_160 : f32 to vector<16xf32>
        %max3A_162 = arith.maximumf %get3A_159, %max3A_161 : vector<16xf32>
        %min3A_163 = arith.constant 2.500000e+01 : f32
        %min3A_164 = vector.broadcast %min3A_163 : f32 to vector<16xf32>
        %min3A_165 = arith.minimumf %max3A_162, %min3A_164 : vector<16xf32>
        %sub3A_166 = arith.constant -2.500000e+01 : f32
        %sub3A_167 = vector.broadcast %sub3A_166 : f32 to vector<16xf32>
        %sub3A_168 = arith.subf %min3A_165, %sub3A_167 : vector<16xf32>
        %mul3A_169 = vector.broadcast %scan3A : f32 to vector<16xf32>
        %mul3A_170 = arith.mulf %sub3A_168, %mul3A_169 : vector<16xf32>
        %convert_element_type3A_171 = arith.fptosi %mul3A_170 : vector<16xf32> to vector<16xi32>
        %min3A_172 = arith.constant 1023 : i32
        %min3A_173 = vector.broadcast %min3A_172 : i32 to vector<16xi32>
        %min3A_174 = arith.minsi %convert_element_type3A_171, %min3A_173 : vector<16xi32>
        %mul3A_175 = arith.constant 16 : i32
        %mul3A_176 = vector.broadcast %mul3A_175 : i32 to vector<16xi32>
        %mul3A_177 = arith.muli %min3A_174, %mul3A_176 : vector<16xi32>
        %add3A_178 = arith.addi %mul3A_177, %iota3A : vector<16xi32>
        tpu.vector_store_idx %arg5[%add3A_178], %broadcast_in_dim3A_1 {add = true} : memref<16384xf32, #tpu.memory_space<vmem>>[vector<16xi32>], vector<16xf32>,
        %mul3A_179 = arith.constant 25 : i32
        %mul3A_180 = arith.muli %scan3A_47, %mul3A_179 : i32
        %add3A_181 = arith.constant 5 : i32
        %add3A_182 = arith.addi %mul3A_180, %add3A_181 : i32
        %mul3A_183 = arith.constant 16 : i32
        %mul3A_184 = arith.muli %add3A_182, %mul3A_183 : i32
        %get3A_185 = arith.index_cast %mul3A_184 : i32 to index
        %get3A_186 = tpu.vector_load %arg4[%get3A_185] {strides = array<i32>} : memref<100000xf32, #tpu.memory_space<vmem>>, vector<16xf32>,
        %max3A_187 = arith.constant -2.500000e+01 : f32
        %max3A_188 = vector.broadcast %max3A_187 : f32 to vector<16xf32>
        %max3A_189 = arith.maximumf %get3A_186, %max3A_188 : vector<16xf32>
        %min3A_190 = arith.constant 2.500000e+01 : f32
        %min3A_191 = vector.broadcast %min3A_190 : f32 to vector<16xf32>
        %min3A_192 = arith.minimumf %max3A_189, %min3A_191 : vector<16xf32>
        %sub3A_193 = arith.constant -2.500000e+01 : f32
        %sub3A_194 = vector.broadcast %sub3A_193 : f32 to vector<16xf32>
        %sub3A_195 = arith.subf %min3A_192, %sub3A_194 : vector<16xf32>
        %mul3A_196 = vector.broadcast %scan3A : f32 to vector<16xf32>
        %mul3A_197 = arith.mulf %sub3A_195, %mul3A_196 : vector<16xf32>
        %convert_element_type3A_198 = arith.fptosi %mul3A_197 : vector<16xf32> to vector<16xi32>
        %min3A_199 = arith.constant 1023 : i32
        %min3A_200 = vector.broadcast %min3A_199 : i32 to vector<16xi32>
        %min3A_201 = arith.minsi %convert_element_type3A_198, %min3A_200 : vector<16xi32>
        %mul3A_202 = arith.constant 16 : i32
        %mul3A_203 = vector.broadcast %mul3A_202 : i32 to vector<16xi32>
        %mul3A_204 = arith.muli %min3A_201, %mul3A_203 : vector<16xi32>
        %add3A_205 = arith.addi %mul3A_204, %iota3A : vector<16xi32>
        tpu.vector_store_idx %arg5[%add3A_205], %broadcast_in_dim3A_1 {add = true} : memref<16384xf32, #tpu.memory_space<vmem>>[vector<16xi32>], vector<16xf32>,
        %mul3A_206 = arith.constant 25 : i32
        %mul3A_207 = arith.muli %scan3A_47, %mul3A_206 : i32
        %add3A_208 = arith.constant 6 : i32
        %add3A_209 = arith.addi %mul3A_207, %add3A_208 : i32
        %mul3A_210 = arith.constant 16 : i32
        %mul3A_211 = arith.muli %add3A_209, %mul3A_210 : i32
        %get3A_212 = arith.index_cast %mul3A_211 : i32 to index
        %get3A_213 = tpu.vector_load %arg4[%get3A_212] {strides = array<i32>} : memref<100000xf32, #tpu.memory_space<vmem>>, vector<16xf32>,
        %max3A_214 = arith.constant -2.500000e+01 : f32
        %max3A_215 = vector.broadcast %max3A_214 : f32 to vector<16xf32>
        %max3A_216 = arith.maximumf %get3A_213, %max3A_215 : vector<16xf32>
        %min3A_217 = arith.constant 2.500000e+01 : f32
        %min3A_218 = vector.broadcast %min3A_217 : f32 to vector<16xf32>
        %min3A_219 = arith.minimumf %max3A_216, %min3A_218 : vector<16xf32>
        %sub3A_220 = arith.constant -2.500000e+01 : f32
        %sub3A_221 = vector.broadcast %sub3A_220 : f32 to vector<16xf32>
        %sub3A_222 = arith.subf %min3A_219, %sub3A_221 : vector<16xf32>
        %mul3A_223 = vector.broadcast %scan3A : f32 to vector<16xf32>
        %mul3A_224 = arith.mulf %sub3A_222, %mul3A_223 : vector<16xf32>
        %convert_element_type3A_225 = arith.fptosi %mul3A_224 : vector<16xf32> to vector<16xi32>
        %min3A_226 = arith.constant 1023 : i32
        %min3A_227 = vector.broadcast %min3A_226 : i32 to vector<16xi32>
        %min3A_228 = arith.minsi %convert_element_type3A_225, %min3A_227 : vector<16xi32>
        %mul3A_229 = arith.constant 16 : i32
        %mul3A_230 = vector.broadcast %mul3A_229 : i32 to vector<16xi32>
        %mul3A_231 = arith.muli %min3A_228, %mul3A_230 : vector<16xi32>
        %add3A_232 = arith.addi %mul3A_231, %iota3A : vector<16xi32>
        tpu.vector_store_idx %arg5[%add3A_232], %broadcast_in_dim3A_1 {add = true} : memref<16384xf32, #tpu.memory_space<vmem>>[vector<16xi32>], vector<16xf32>,
        %mul3A_233 = arith.constant 25 : i32
        %mul3A_234 = arith.muli %scan3A_47, %mul3A_233 : i32
        %add3A_235 = arith.constant 7 : i32
        %add3A_236 = arith.addi %mul3A_234, %add3A_235 : i32
        %mul3A_237 = arith.constant 16 : i32
        %mul3A_238 = arith.muli %add3A_236, %mul3A_237 : i32
        %get3A_239 = arith.index_cast %mul3A_238 : i32 to index
        %get3A_240 = tpu.vector_load %arg4[%get3A_239] {strides = array<i32>} : memref<100000xf32, #tpu.memory_space<vmem>>, vector<16xf32>,
        %max3A_241 = arith.constant -2.500000e+01 : f32
        %max3A_242 = vector.broadcast %max3A_241 : f32 to vector<16xf32>
        %max3A_243 = arith.maximumf %get3A_240, %max3A_242 : vector<16xf32>
        %min3A_244 = arith.constant 2.500000e+01 : f32
        %min3A_245 = vector.broadcast %min3A_244 : f32 to vector<16xf32>
        %min3A_246 = arith.minimumf %max3A_243, %min3A_245 : vector<16xf32>
        %sub3A_247 = arith.constant -2.500000e+01 : f32
        %sub3A_248 = vector.broadcast %sub3A_247 : f32 to vector<16xf32>
        %sub3A_249 = arith.subf %min3A_246, %sub3A_248 : vector<16xf32>
        %mul3A_250 = vector.broadcast %scan3A : f32 to vector<16xf32>
        %mul3A_251 = arith.mulf %sub3A_249, %mul3A_250 : vector<16xf32>
        %convert_element_type3A_252 = arith.fptosi %mul3A_251 : vector<16xf32> to vector<16xi32>
        %min3A_253 = arith.constant 1023 : i32
        %min3A_254 = vector.broadcast %min3A_253 : i32 to vector<16xi32>
        %min3A_255 = arith.minsi %convert_element_type3A_252, %min3A_254 : vector<16xi32>
        %mul3A_256 = arith.constant 16 : i32
        %mul3A_257 = vector.broadcast %mul3A_256 : i32 to vector<16xi32>
        %mul3A_258 = arith.muli %min3A_255, %mul3A_257 : vector<16xi32>
        %add3A_259 = arith.addi %mul3A_258, %iota3A : vector<16xi32>
        tpu.vector_store_idx %arg5[%add3A_259], %broadcast_in_dim3A_1 {add = true} : memref<16384xf32, #tpu.memory_space<vmem>>[vector<16xi32>], vector<16xf32>,
        %mul3A_260 = arith.constant 25 : i32
        %mul3A_261 = arith.muli %scan3A_47, %mul3A_260 : i32
        %add3A_262 = arith.constant 8 : i32
        %add3A_263 = arith.addi %mul3A_261, %add3A_262 : i32
        %mul3A_264 = arith.constant 16 : i32
        %mul3A_265 = arith.muli %add3A_263, %mul3A_264 : i32
        %get3A_266 = arith.index_cast %mul3A_265 : i32 to index
        %get3A_267 = tpu.vector_load %arg4[%get3A_266] {strides = array<i32>} : memref<100000xf32, #tpu.memory_space<vmem>>, vector<16xf32>,
        %max3A_268 = arith.constant -2.500000e+01 : f32
        %max3A_269 = vector.broadcast %max3A_268 : f32 to vector<16xf32>
        %max3A_270 = arith.maximumf %get3A_267, %max3A_269 : vector<16xf32>
        %min3A_271 = arith.constant 2.500000e+01 : f32
        %min3A_272 = vector.broadcast %min3A_271 : f32 to vector<16xf32>
        %min3A_273 = arith.minimumf %max3A_270, %min3A_272 : vector<16xf32>
        %sub3A_274 = arith.constant -2.500000e+01 : f32
        %sub3A_275 = vector.broadcast %sub3A_274 : f32 to vector<16xf32>
        %sub3A_276 = arith.subf %min3A_273, %sub3A_275 : vector<16xf32>
        %mul3A_277 = vector.broadcast %scan3A : f32 to vector<16xf32>
        %mul3A_278 = arith.mulf %sub3A_276, %mul3A_277 : vector<16xf32>
        %convert_element_type3A_279 = arith.fptosi %mul3A_278 : vector<16xf32> to vector<16xi32>
        %min3A_280 = arith.constant 1023 : i32
        %min3A_281 = vector.broadcast %min3A_280 : i32 to vector<16xi32>
        %min3A_282 = arith.minsi %convert_element_type3A_279, %min3A_281 : vector<16xi32>
        %mul3A_283 = arith.constant 16 : i32
        %mul3A_284 = vector.broadcast %mul3A_283 : i32 to vector<16xi32>
        %mul3A_285 = arith.muli %min3A_282, %mul3A_284 : vector<16xi32>
        %add3A_286 = arith.addi %mul3A_285, %iota3A : vector<16xi32>
        tpu.vector_store_idx %arg5[%add3A_286], %broadcast_in_dim3A_1 {add = true} : memref<16384xf32, #tpu.memory_space<vmem>>[vector<16xi32>], vector<16xf32>,
        %mul3A_287 = arith.constant 25 : i32
        %mul3A_288 = arith.muli %scan3A_47, %mul3A_287 : i32
        %add3A_289 = arith.constant 9 : i32
        %add3A_290 = arith.addi %mul3A_288, %add3A_289 : i32
        %mul3A_291 = arith.constant 16 : i32
        %mul3A_292 = arith.muli %add3A_290, %mul3A_291 : i32
        %get3A_293 = arith.index_cast %mul3A_292 : i32 to index
        %get3A_294 = tpu.vector_load %arg4[%get3A_293] {strides = array<i32>} : memref<100000xf32, #tpu.memory_space<vmem>>, vector<16xf32>,
        %max3A_295 = arith.constant -2.500000e+01 : f32
        %max3A_296 = vector.broadcast %max3A_295 : f32 to vector<16xf32>
        %max3A_297 = arith.maximumf %get3A_294, %max3A_296 : vector<16xf32>
        %min3A_298 = arith.constant 2.500000e+01 : f32
        %min3A_299 = vector.broadcast %min3A_298 : f32 to vector<16xf32>
        %min3A_300 = arith.minimumf %max3A_297, %min3A_299 : vector<16xf32>
        %sub3A_301 = arith.constant -2.500000e+01 : f32
        %sub3A_302 = vector.broadcast %sub3A_301 : f32 to vector<16xf32>
        %sub3A_303 = arith.subf %min3A_300, %sub3A_302 : vector<16xf32>
        %mul3A_304 = vector.broadcast %scan3A : f32 to vector<16xf32>
        %mul3A_305 = arith.mulf %sub3A_303, %mul3A_304 : vector<16xf32>
        %convert_element_type3A_306 = arith.fptosi %mul3A_305 : vector<16xf32> to vector<16xi32>
        %min3A_307 = arith.constant 1023 : i32
        %min3A_308 = vector.broadcast %min3A_307 : i32 to vector<16xi32>
        %min3A_309 = arith.minsi %convert_element_type3A_306, %min3A_308 : vector<16xi32>
        %mul3A_310 = arith.constant 16 : i32
        %mul3A_311 = vector.broadcast %mul3A_310 : i32 to vector<16xi32>
        %mul3A_312 = arith.muli %min3A_309, %mul3A_311 : vector<16xi32>
        %add3A_313 = arith.addi %mul3A_312, %iota3A : vector<16xi32>
        tpu.vector_store_idx %arg5[%add3A_313], %broadcast_in_dim3A_1 {add = true} : memref<16384xf32, #tpu.memory_space<vmem>>[vector<16xi32>], vector<16xf32>,
        %mul3A_314 = arith.constant 25 : i32
        %mul3A_315 = arith.muli %scan3A_47, %mul3A_314 : i32
        %add3A_316 = arith.constant 10 : i32
        %add3A_317 = arith.addi %mul3A_315, %add3A_316 : i32
        %mul3A_318 = arith.constant 16 : i32
        %mul3A_319 = arith.muli %add3A_317, %mul3A_318 : i32
        %get3A_320 = arith.index_cast %mul3A_319 : i32 to index
        %get3A_321 = tpu.vector_load %arg4[%get3A_320] {strides = array<i32>} : memref<100000xf32, #tpu.memory_space<vmem>>, vector<16xf32>,
        %max3A_322 = arith.constant -2.500000e+01 : f32
        %max3A_323 = vector.broadcast %max3A_322 : f32 to vector<16xf32>
        %max3A_324 = arith.maximumf %get3A_321, %max3A_323 : vector<16xf32>
        %min3A_325 = arith.constant 2.500000e+01 : f32
        %min3A_326 = vector.broadcast %min3A_325 : f32 to vector<16xf32>
        %min3A_327 = arith.minimumf %max3A_324, %min3A_326 : vector<16xf32>
        %sub3A_328 = arith.constant -2.500000e+01 : f32
        %sub3A_329 = vector.broadcast %sub3A_328 : f32 to vector<16xf32>
        %sub3A_330 = arith.subf %min3A_327, %sub3A_329 : vector<16xf32>
        %mul3A_331 = vector.broadcast %scan3A : f32 to vector<16xf32>
        %mul3A_332 = arith.mulf %sub3A_330, %mul3A_331 : vector<16xf32>
        %convert_element_type3A_333 = arith.fptosi %mul3A_332 : vector<16xf32> to vector<16xi32>
        %min3A_334 = arith.constant 1023 : i32
        %min3A_335 = vector.broadcast %min3A_334 : i32 to vector<16xi32>
        %min3A_336 = arith.minsi %convert_element_type3A_333, %min3A_335 : vector<16xi32>
        %mul3A_337 = arith.constant 16 : i32
        %mul3A_338 = vector.broadcast %mul3A_337 : i32 to vector<16xi32>
        %mul3A_339 = arith.muli %min3A_336, %mul3A_338 : vector<16xi32>
        %add3A_340 = arith.addi %mul3A_339, %iota3A : vector<16xi32>
        tpu.vector_store_idx %arg5[%add3A_340], %broadcast_in_dim3A_1 {add = true} : memref<16384xf32, #tpu.memory_space<vmem>>[vector<16xi32>], vector<16xf32>,
        %mul3A_341 = arith.constant 25 : i32
        %mul3A_342 = arith.muli %scan3A_47, %mul3A_341 : i32
        %add3A_343 = arith.constant 11 : i32
        %add3A_344 = arith.addi %mul3A_342, %add3A_343 : i32
        %mul3A_345 = arith.constant 16 : i32
        %mul3A_346 = arith.muli %add3A_344, %mul3A_345 : i32
        %get3A_347 = arith.index_cast %mul3A_346 : i32 to index
        %get3A_348 = tpu.vector_load %arg4[%get3A_347] {strides = array<i32>} : memref<100000xf32, #tpu.memory_space<vmem>>, vector<16xf32>,
        %max3A_349 = arith.constant -2.500000e+01 : f32
        %max3A_350 = vector.broadcast %max3A_349 : f32 to vector<16xf32>
        %max3A_351 = arith.maximumf %get3A_348, %max3A_350 : vector<16xf32>
        %min3A_352 = arith.constant 2.500000e+01 : f32
        %min3A_353 = vector.broadcast %min3A_352 : f32 to vector<16xf32>
        %min3A_354 = arith.minimumf %max3A_351, %min3A_353 : vector<16xf32>
        %sub3A_355 = arith.constant -2.500000e+01 : f32
        %sub3A_356 = vector.broadcast %sub3A_355 : f32 to vector<16xf32>
        %sub3A_357 = arith.subf %min3A_354, %sub3A_356 : vector<16xf32>
        %mul3A_358 = vector.broadcast %scan3A : f32 to vector<16xf32>
        %mul3A_359 = arith.mulf %sub3A_357, %mul3A_358 : vector<16xf32>
        %convert_element_type3A_360 = arith.fptosi %mul3A_359 : vector<16xf32> to vector<16xi32>
        %min3A_361 = arith.constant 1023 : i32
        %min3A_362 = vector.broadcast %min3A_361 : i32 to vector<16xi32>
        %min3A_363 = arith.minsi %convert_element_type3A_360, %min3A_362 : vector<16xi32>
        %mul3A_364 = arith.constant 16 : i32
        %mul3A_365 = vector.broadcast %mul3A_364 : i32 to vector<16xi32>
        %mul3A_366 = arith.muli %min3A_363, %mul3A_365 : vector<16xi32>
        %add3A_367 = arith.addi %mul3A_366, %iota3A : vector<16xi32>
        tpu.vector_store_idx %arg5[%add3A_367], %broadcast_in_dim3A_1 {add = true} : memref<16384xf32, #tpu.memory_space<vmem>>[vector<16xi32>], vector<16xf32>,
        %mul3A_368 = arith.constant 25 : i32
        %mul3A_369 = arith.muli %scan3A_47, %mul3A_368 : i32
        %add3A_370 = arith.constant 12 : i32
        %add3A_371 = arith.addi %mul3A_369, %add3A_370 : i32
        %mul3A_372 = arith.constant 16 : i32
        %mul3A_373 = arith.muli %add3A_371, %mul3A_372 : i32
        %get3A_374 = arith.index_cast %mul3A_373 : i32 to index
        %get3A_375 = tpu.vector_load %arg4[%get3A_374] {strides = array<i32>} : memref<100000xf32, #tpu.memory_space<vmem>>, vector<16xf32>,
        %max3A_376 = arith.constant -2.500000e+01 : f32
        %max3A_377 = vector.broadcast %max3A_376 : f32 to vector<16xf32>
        %max3A_378 = arith.maximumf %get3A_375, %max3A_377 : vector<16xf32>
        %min3A_379 = arith.constant 2.500000e+01 : f32
        %min3A_380 = vector.broadcast %min3A_379 : f32 to vector<16xf32>
        %min3A_381 = arith.minimumf %max3A_378, %min3A_380 : vector<16xf32>
        %sub3A_382 = arith.constant -2.500000e+01 : f32
        %sub3A_383 = vector.broadcast %sub3A_382 : f32 to vector<16xf32>
        %sub3A_384 = arith.subf %min3A_381, %sub3A_383 : vector<16xf32>
        %mul3A_385 = vector.broadcast %scan3A : f32 to vector<16xf32>
        %mul3A_386 = arith.mulf %sub3A_384, %mul3A_385 : vector<16xf32>
        %convert_element_type3A_387 = arith.fptosi %mul3A_386 : vector<16xf32> to vector<16xi32>
        %min3A_388 = arith.constant 1023 : i32
        %min3A_389 = vector.broadcast %min3A_388 : i32 to vector<16xi32>
        %min3A_390 = arith.minsi %convert_element_type3A_387, %min3A_389 : vector<16xi32>
        %mul3A_391 = arith.constant 16 : i32
        %mul3A_392 = vector.broadcast %mul3A_391 : i32 to vector<16xi32>
        %mul3A_393 = arith.muli %min3A_390, %mul3A_392 : vector<16xi32>
        %add3A_394 = arith.addi %mul3A_393, %iota3A : vector<16xi32>
        tpu.vector_store_idx %arg5[%add3A_394], %broadcast_in_dim3A_1 {add = true} : memref<16384xf32, #tpu.memory_space<vmem>>[vector<16xi32>], vector<16xf32>,
        %mul3A_395 = arith.constant 25 : i32
        %mul3A_396 = arith.muli %scan3A_47, %mul3A_395 : i32
        %add3A_397 = arith.constant 13 : i32
        %add3A_398 = arith.addi %mul3A_396, %add3A_397 : i32
        %mul3A_399 = arith.constant 16 : i32
        %mul3A_400 = arith.muli %add3A_398, %mul3A_399 : i32
        %get3A_401 = arith.index_cast %mul3A_400 : i32 to index
        %get3A_402 = tpu.vector_load %arg4[%get3A_401] {strides = array<i32>} : memref<100000xf32, #tpu.memory_space<vmem>>, vector<16xf32>,
        %max3A_403 = arith.constant -2.500000e+01 : f32
        %max3A_404 = vector.broadcast %max3A_403 : f32 to vector<16xf32>
        %max3A_405 = arith.maximumf %get3A_402, %max3A_404 : vector<16xf32>
        %min3A_406 = arith.constant 2.500000e+01 : f32
        %min3A_407 = vector.broadcast %min3A_406 : f32 to vector<16xf32>
        %min3A_408 = arith.minimumf %max3A_405, %min3A_407 : vector<16xf32>
        %sub3A_409 = arith.constant -2.500000e+01 : f32
        %sub3A_410 = vector.broadcast %sub3A_409 : f32 to vector<16xf32>
        %sub3A_411 = arith.subf %min3A_408, %sub3A_410 : vector<16xf32>
        %mul3A_412 = vector.broadcast %scan3A : f32 to vector<16xf32>
        %mul3A_413 = arith.mulf %sub3A_411, %mul3A_412 : vector<16xf32>
        %convert_element_type3A_414 = arith.fptosi %mul3A_413 : vector<16xf32> to vector<16xi32>
        %min3A_415 = arith.constant 1023 : i32
        %min3A_416 = vector.broadcast %min3A_415 : i32 to vector<16xi32>
        %min3A_417 = arith.minsi %convert_element_type3A_414, %min3A_416 : vector<16xi32>
        %mul3A_418 = arith.constant 16 : i32
        %mul3A_419 = vector.broadcast %mul3A_418 : i32 to vector<16xi32>
        %mul3A_420 = arith.muli %min3A_417, %mul3A_419 : vector<16xi32>
        %add3A_421 = arith.addi %mul3A_420, %iota3A : vector<16xi32>
        tpu.vector_store_idx %arg5[%add3A_421], %broadcast_in_dim3A_1 {add = true} : memref<16384xf32, #tpu.memory_space<vmem>>[vector<16xi32>], vector<16xf32>,
        %mul3A_422 = arith.constant 25 : i32
        %mul3A_423 = arith.muli %scan3A_47, %mul3A_422 : i32
        %add3A_424 = arith.constant 14 : i32
        %add3A_425 = arith.addi %mul3A_423, %add3A_424 : i32
        %mul3A_426 = arith.constant 16 : i32
        %mul3A_427 = arith.muli %add3A_425, %mul3A_426 : i32
        %get3A_428 = arith.index_cast %mul3A_427 : i32 to index
        %get3A_429 = tpu.vector_load %arg4[%get3A_428] {strides = array<i32>} : memref<100000xf32, #tpu.memory_space<vmem>>, vector<16xf32>,
        %max3A_430 = arith.constant -2.500000e+01 : f32
        %max3A_431 = vector.broadcast %max3A_430 : f32 to vector<16xf32>
        %max3A_432 = arith.maximumf %get3A_429, %max3A_431 : vector<16xf32>
        %min3A_433 = arith.constant 2.500000e+01 : f32
        %min3A_434 = vector.broadcast %min3A_433 : f32 to vector<16xf32>
        %min3A_435 = arith.minimumf %max3A_432, %min3A_434 : vector<16xf32>
        %sub3A_436 = arith.constant -2.500000e+01 : f32
        %sub3A_437 = vector.broadcast %sub3A_436 : f32 to vector<16xf32>
        %sub3A_438 = arith.subf %min3A_435, %sub3A_437 : vector<16xf32>
        %mul3A_439 = vector.broadcast %scan3A : f32 to vector<16xf32>
        %mul3A_440 = arith.mulf %sub3A_438, %mul3A_439 : vector<16xf32>
        %convert_element_type3A_441 = arith.fptosi %mul3A_440 : vector<16xf32> to vector<16xi32>
        %min3A_442 = arith.constant 1023 : i32
        %min3A_443 = vector.broadcast %min3A_442 : i32 to vector<16xi32>
        %min3A_444 = arith.minsi %convert_element_type3A_441, %min3A_443 : vector<16xi32>
        %mul3A_445 = arith.constant 16 : i32
        %mul3A_446 = vector.broadcast %mul3A_445 : i32 to vector<16xi32>
        %mul3A_447 = arith.muli %min3A_444, %mul3A_446 : vector<16xi32>
        %add3A_448 = arith.addi %mul3A_447, %iota3A : vector<16xi32>
        tpu.vector_store_idx %arg5[%add3A_448], %broadcast_in_dim3A_1 {add = true} : memref<16384xf32, #tpu.memory_space<vmem>>[vector<16xi32>], vector<16xf32>,
        %mul3A_449 = arith.constant 25 : i32
        %mul3A_450 = arith.muli %scan3A_47, %mul3A_449 : i32
        %add3A_451 = arith.constant 15 : i32
        %add3A_452 = arith.addi %mul3A_450, %add3A_451 : i32
        %mul3A_453 = arith.constant 16 : i32
        %mul3A_454 = arith.muli %add3A_452, %mul3A_453 : i32
        %get3A_455 = arith.index_cast %mul3A_454 : i32 to index
        %get3A_456 = tpu.vector_load %arg4[%get3A_455] {strides = array<i32>} : memref<100000xf32, #tpu.memory_space<vmem>>, vector<16xf32>,
        %max3A_457 = arith.constant -2.500000e+01 : f32
        %max3A_458 = vector.broadcast %max3A_457 : f32 to vector<16xf32>
        %max3A_459 = arith.maximumf %get3A_456, %max3A_458 : vector<16xf32>
        %min3A_460 = arith.constant 2.500000e+01 : f32
        %min3A_461 = vector.broadcast %min3A_460 : f32 to vector<16xf32>
        %min3A_462 = arith.minimumf %max3A_459, %min3A_461 : vector<16xf32>
        %sub3A_463 = arith.constant -2.500000e+01 : f32
        %sub3A_464 = vector.broadcast %sub3A_463 : f32 to vector<16xf32>
        %sub3A_465 = arith.subf %min3A_462, %sub3A_464 : vector<16xf32>
        %mul3A_466 = vector.broadcast %scan3A : f32 to vector<16xf32>
        %mul3A_467 = arith.mulf %sub3A_465, %mul3A_466 : vector<16xf32>
        %convert_element_type3A_468 = arith.fptosi %mul3A_467 : vector<16xf32> to vector<16xi32>
        %min3A_469 = arith.constant 1023 : i32
        %min3A_470 = vector.broadcast %min3A_469 : i32 to vector<16xi32>
        %min3A_471 = arith.minsi %convert_element_type3A_468, %min3A_470 : vector<16xi32>
        %mul3A_472 = arith.constant 16 : i32
        %mul3A_473 = vector.broadcast %mul3A_472 : i32 to vector<16xi32>
        %mul3A_474 = arith.muli %min3A_471, %mul3A_473 : vector<16xi32>
        %add3A_475 = arith.addi %mul3A_474, %iota3A : vector<16xi32>
        tpu.vector_store_idx %arg5[%add3A_475], %broadcast_in_dim3A_1 {add = true} : memref<16384xf32, #tpu.memory_space<vmem>>[vector<16xi32>], vector<16xf32>,
        %mul3A_476 = arith.constant 25 : i32
        %mul3A_477 = arith.muli %scan3A_47, %mul3A_476 : i32
        %add3A_478 = arith.constant 16 : i32
        %add3A_479 = arith.addi %mul3A_477, %add3A_478 : i32
        %mul3A_480 = arith.constant 16 : i32
        %mul3A_481 = arith.muli %add3A_479, %mul3A_480 : i32
        %get3A_482 = arith.index_cast %mul3A_481 : i32 to index
        %get3A_483 = tpu.vector_load %arg4[%get3A_482] {strides = array<i32>} : memref<100000xf32, #tpu.memory_space<vmem>>, vector<16xf32>,
        %max3A_484 = arith.constant -2.500000e+01 : f32
        %max3A_485 = vector.broadcast %max3A_484 : f32 to vector<16xf32>
        %max3A_486 = arith.maximumf %get3A_483, %max3A_485 : vector<16xf32>
        %min3A_487 = arith.constant 2.500000e+01 : f32
        %min3A_488 = vector.broadcast %min3A_487 : f32 to vector<16xf32>
        %min3A_489 = arith.minimumf %max3A_486, %min3A_488 : vector<16xf32>
        %sub3A_490 = arith.constant -2.500000e+01 : f32
        %sub3A_491 = vector.broadcast %sub3A_490 : f32 to vector<16xf32>
        %sub3A_492 = arith.subf %min3A_489, %sub3A_491 : vector<16xf32>
        %mul3A_493 = vector.broadcast %scan3A : f32 to vector<16xf32>
        %mul3A_494 = arith.mulf %sub3A_492, %mul3A_493 : vector<16xf32>
        %convert_element_type3A_495 = arith.fptosi %mul3A_494 : vector<16xf32> to vector<16xi32>
        %min3A_496 = arith.constant 1023 : i32
        %min3A_497 = vector.broadcast %min3A_496 : i32 to vector<16xi32>
        %min3A_498 = arith.minsi %convert_element_type3A_495, %min3A_497 : vector<16xi32>
        %mul3A_499 = arith.constant 16 : i32
        %mul3A_500 = vector.broadcast %mul3A_499 : i32 to vector<16xi32>
        %mul3A_501 = arith.muli %min3A_498, %mul3A_500 : vector<16xi32>
        %add3A_502 = arith.addi %mul3A_501, %iota3A : vector<16xi32>
        tpu.vector_store_idx %arg5[%add3A_502], %broadcast_in_dim3A_1 {add = true} : memref<16384xf32, #tpu.memory_space<vmem>>[vector<16xi32>], vector<16xf32>,
        %mul3A_503 = arith.constant 25 : i32
        %mul3A_504 = arith.muli %scan3A_47, %mul3A_503 : i32
        %add3A_505 = arith.constant 17 : i32
        %add3A_506 = arith.addi %mul3A_504, %add3A_505 : i32
        %mul3A_507 = arith.constant 16 : i32
        %mul3A_508 = arith.muli %add3A_506, %mul3A_507 : i32
        %get3A_509 = arith.index_cast %mul3A_508 : i32 to index
        %get3A_510 = tpu.vector_load %arg4[%get3A_509] {strides = array<i32>} : memref<100000xf32, #tpu.memory_space<vmem>>, vector<16xf32>,
        %max3A_511 = arith.constant -2.500000e+01 : f32
        %max3A_512 = vector.broadcast %max3A_511 : f32 to vector<16xf32>
        %max3A_513 = arith.maximumf %get3A_510, %max3A_512 : vector<16xf32>
        %min3A_514 = arith.constant 2.500000e+01 : f32
        %min3A_515 = vector.broadcast %min3A_514 : f32 to vector<16xf32>
        %min3A_516 = arith.minimumf %max3A_513, %min3A_515 : vector<16xf32>
        %sub3A_517 = arith.constant -2.500000e+01 : f32
        %sub3A_518 = vector.broadcast %sub3A_517 : f32 to vector<16xf32>
        %sub3A_519 = arith.subf %min3A_516, %sub3A_518 : vector<16xf32>
        %mul3A_520 = vector.broadcast %scan3A : f32 to vector<16xf32>
        %mul3A_521 = arith.mulf %sub3A_519, %mul3A_520 : vector<16xf32>
        %convert_element_type3A_522 = arith.fptosi %mul3A_521 : vector<16xf32> to vector<16xi32>
        %min3A_523 = arith.constant 1023 : i32
        %min3A_524 = vector.broadcast %min3A_523 : i32 to vector<16xi32>
        %min3A_525 = arith.minsi %convert_element_type3A_522, %min3A_524 : vector<16xi32>
        %mul3A_526 = arith.constant 16 : i32
        %mul3A_527 = vector.broadcast %mul3A_526 : i32 to vector<16xi32>
        %mul3A_528 = arith.muli %min3A_525, %mul3A_527 : vector<16xi32>
        %add3A_529 = arith.addi %mul3A_528, %iota3A : vector<16xi32>
        tpu.vector_store_idx %arg5[%add3A_529], %broadcast_in_dim3A_1 {add = true} : memref<16384xf32, #tpu.memory_space<vmem>>[vector<16xi32>], vector<16xf32>,
        %mul3A_530 = arith.constant 25 : i32
        %mul3A_531 = arith.muli %scan3A_47, %mul3A_530 : i32
        %add3A_532 = arith.constant 18 : i32
        %add3A_533 = arith.addi %mul3A_531, %add3A_532 : i32
        %mul3A_534 = arith.constant 16 : i32
        %mul3A_535 = arith.muli %add3A_533, %mul3A_534 : i32
        %get3A_536 = arith.index_cast %mul3A_535 : i32 to index
        %get3A_537 = tpu.vector_load %arg4[%get3A_536] {strides = array<i32>} : memref<100000xf32, #tpu.memory_space<vmem>>, vector<16xf32>,
        %max3A_538 = arith.constant -2.500000e+01 : f32
        %max3A_539 = vector.broadcast %max3A_538 : f32 to vector<16xf32>
        %max3A_540 = arith.maximumf %get3A_537, %max3A_539 : vector<16xf32>
        %min3A_541 = arith.constant 2.500000e+01 : f32
        %min3A_542 = vector.broadcast %min3A_541 : f32 to vector<16xf32>
        %min3A_543 = arith.minimumf %max3A_540, %min3A_542 : vector<16xf32>
        %sub3A_544 = arith.constant -2.500000e+01 : f32
        %sub3A_545 = vector.broadcast %sub3A_544 : f32 to vector<16xf32>
        %sub3A_546 = arith.subf %min3A_543, %sub3A_545 : vector<16xf32>
        %mul3A_547 = vector.broadcast %scan3A : f32 to vector<16xf32>
        %mul3A_548 = arith.mulf %sub3A_546, %mul3A_547 : vector<16xf32>
        %convert_element_type3A_549 = arith.fptosi %mul3A_548 : vector<16xf32> to vector<16xi32>
        %min3A_550 = arith.constant 1023 : i32
        %min3A_551 = vector.broadcast %min3A_550 : i32 to vector<16xi32>
        %min3A_552 = arith.minsi %convert_element_type3A_549, %min3A_551 : vector<16xi32>
        %mul3A_553 = arith.constant 16 : i32
        %mul3A_554 = vector.broadcast %mul3A_553 : i32 to vector<16xi32>
        %mul3A_555 = arith.muli %min3A_552, %mul3A_554 : vector<16xi32>
        %add3A_556 = arith.addi %mul3A_555, %iota3A : vector<16xi32>
        tpu.vector_store_idx %arg5[%add3A_556], %broadcast_in_dim3A_1 {add = true} : memref<16384xf32, #tpu.memory_space<vmem>>[vector<16xi32>], vector<16xf32>,
        %mul3A_557 = arith.constant 25 : i32
        %mul3A_558 = arith.muli %scan3A_47, %mul3A_557 : i32
        %add3A_559 = arith.constant 19 : i32
        %add3A_560 = arith.addi %mul3A_558, %add3A_559 : i32
        %mul3A_561 = arith.constant 16 : i32
        %mul3A_562 = arith.muli %add3A_560, %mul3A_561 : i32
        %get3A_563 = arith.index_cast %mul3A_562 : i32 to index
        %get3A_564 = tpu.vector_load %arg4[%get3A_563] {strides = array<i32>} : memref<100000xf32, #tpu.memory_space<vmem>>, vector<16xf32>,
        %max3A_565 = arith.constant -2.500000e+01 : f32
        %max3A_566 = vector.broadcast %max3A_565 : f32 to vector<16xf32>
        %max3A_567 = arith.maximumf %get3A_564, %max3A_566 : vector<16xf32>
        %min3A_568 = arith.constant 2.500000e+01 : f32
        %min3A_569 = vector.broadcast %min3A_568 : f32 to vector<16xf32>
        %min3A_570 = arith.minimumf %max3A_567, %min3A_569 : vector<16xf32>
        %sub3A_571 = arith.constant -2.500000e+01 : f32
        %sub3A_572 = vector.broadcast %sub3A_571 : f32 to vector<16xf32>
        %sub3A_573 = arith.subf %min3A_570, %sub3A_572 : vector<16xf32>
        %mul3A_574 = vector.broadcast %scan3A : f32 to vector<16xf32>
        %mul3A_575 = arith.mulf %sub3A_573, %mul3A_574 : vector<16xf32>
        %convert_element_type3A_576 = arith.fptosi %mul3A_575 : vector<16xf32> to vector<16xi32>
        %min3A_577 = arith.constant 1023 : i32
        %min3A_578 = vector.broadcast %min3A_577 : i32 to vector<16xi32>
        %min3A_579 = arith.minsi %convert_element_type3A_576, %min3A_578 : vector<16xi32>
        %mul3A_580 = arith.constant 16 : i32
        %mul3A_581 = vector.broadcast %mul3A_580 : i32 to vector<16xi32>
        %mul3A_582 = arith.muli %min3A_579, %mul3A_581 : vector<16xi32>
        %add3A_583 = arith.addi %mul3A_582, %iota3A : vector<16xi32>
        tpu.vector_store_idx %arg5[%add3A_583], %broadcast_in_dim3A_1 {add = true} : memref<16384xf32, #tpu.memory_space<vmem>>[vector<16xi32>], vector<16xf32>,
        %mul3A_584 = arith.constant 25 : i32
        %mul3A_585 = arith.muli %scan3A_47, %mul3A_584 : i32
        %add3A_586 = arith.constant 20 : i32
        %add3A_587 = arith.addi %mul3A_585, %add3A_586 : i32
        %mul3A_588 = arith.constant 16 : i32
        %mul3A_589 = arith.muli %add3A_587, %mul3A_588 : i32
        %get3A_590 = arith.index_cast %mul3A_589 : i32 to index
        %get3A_591 = tpu.vector_load %arg4[%get3A_590] {strides = array<i32>} : memref<100000xf32, #tpu.memory_space<vmem>>, vector<16xf32>,
        %max3A_592 = arith.constant -2.500000e+01 : f32
        %max3A_593 = vector.broadcast %max3A_592 : f32 to vector<16xf32>
        %max3A_594 = arith.maximumf %get3A_591, %max3A_593 : vector<16xf32>
        %min3A_595 = arith.constant 2.500000e+01 : f32
        %min3A_596 = vector.broadcast %min3A_595 : f32 to vector<16xf32>
        %min3A_597 = arith.minimumf %max3A_594, %min3A_596 : vector<16xf32>
        %sub3A_598 = arith.constant -2.500000e+01 : f32
        %sub3A_599 = vector.broadcast %sub3A_598 : f32 to vector<16xf32>
        %sub3A_600 = arith.subf %min3A_597, %sub3A_599 : vector<16xf32>
        %mul3A_601 = vector.broadcast %scan3A : f32 to vector<16xf32>
        %mul3A_602 = arith.mulf %sub3A_600, %mul3A_601 : vector<16xf32>
        %convert_element_type3A_603 = arith.fptosi %mul3A_602 : vector<16xf32> to vector<16xi32>
        %min3A_604 = arith.constant 1023 : i32
        %min3A_605 = vector.broadcast %min3A_604 : i32 to vector<16xi32>
        %min3A_606 = arith.minsi %convert_element_type3A_603, %min3A_605 : vector<16xi32>
        %mul3A_607 = arith.constant 16 : i32
        %mul3A_608 = vector.broadcast %mul3A_607 : i32 to vector<16xi32>
        %mul3A_609 = arith.muli %min3A_606, %mul3A_608 : vector<16xi32>
        %add3A_610 = arith.addi %mul3A_609, %iota3A : vector<16xi32>
        tpu.vector_store_idx %arg5[%add3A_610], %broadcast_in_dim3A_1 {add = true} : memref<16384xf32, #tpu.memory_space<vmem>>[vector<16xi32>], vector<16xf32>,
        %mul3A_611 = arith.constant 25 : i32
        %mul3A_612 = arith.muli %scan3A_47, %mul3A_611 : i32
        %add3A_613 = arith.constant 21 : i32
        %add3A_614 = arith.addi %mul3A_612, %add3A_613 : i32
        %mul3A_615 = arith.constant 16 : i32
        %mul3A_616 = arith.muli %add3A_614, %mul3A_615 : i32
        %get3A_617 = arith.index_cast %mul3A_616 : i32 to index
        %get3A_618 = tpu.vector_load %arg4[%get3A_617] {strides = array<i32>} : memref<100000xf32, #tpu.memory_space<vmem>>, vector<16xf32>,
        %max3A_619 = arith.constant -2.500000e+01 : f32
        %max3A_620 = vector.broadcast %max3A_619 : f32 to vector<16xf32>
        %max3A_621 = arith.maximumf %get3A_618, %max3A_620 : vector<16xf32>
        %min3A_622 = arith.constant 2.500000e+01 : f32
        %min3A_623 = vector.broadcast %min3A_622 : f32 to vector<16xf32>
        %min3A_624 = arith.minimumf %max3A_621, %min3A_623 : vector<16xf32>
        %sub3A_625 = arith.constant -2.500000e+01 : f32
        %sub3A_626 = vector.broadcast %sub3A_625 : f32 to vector<16xf32>
        %sub3A_627 = arith.subf %min3A_624, %sub3A_626 : vector<16xf32>
        %mul3A_628 = vector.broadcast %scan3A : f32 to vector<16xf32>
        %mul3A_629 = arith.mulf %sub3A_627, %mul3A_628 : vector<16xf32>
        %convert_element_type3A_630 = arith.fptosi %mul3A_629 : vector<16xf32> to vector<16xi32>
        %min3A_631 = arith.constant 1023 : i32
        %min3A_632 = vector.broadcast %min3A_631 : i32 to vector<16xi32>
        %min3A_633 = arith.minsi %convert_element_type3A_630, %min3A_632 : vector<16xi32>
        %mul3A_634 = arith.constant 16 : i32
        %mul3A_635 = vector.broadcast %mul3A_634 : i32 to vector<16xi32>
        %mul3A_636 = arith.muli %min3A_633, %mul3A_635 : vector<16xi32>
        %add3A_637 = arith.addi %mul3A_636, %iota3A : vector<16xi32>
        tpu.vector_store_idx %arg5[%add3A_637], %broadcast_in_dim3A_1 {add = true} : memref<16384xf32, #tpu.memory_space<vmem>>[vector<16xi32>], vector<16xf32>,
        %mul3A_638 = arith.constant 25 : i32
        %mul3A_639 = arith.muli %scan3A_47, %mul3A_638 : i32
        %add3A_640 = arith.constant 22 : i32
        %add3A_641 = arith.addi %mul3A_639, %add3A_640 : i32
        %mul3A_642 = arith.constant 16 : i32
        %mul3A_643 = arith.muli %add3A_641, %mul3A_642 : i32
        %get3A_644 = arith.index_cast %mul3A_643 : i32 to index
        %get3A_645 = tpu.vector_load %arg4[%get3A_644] {strides = array<i32>} : memref<100000xf32, #tpu.memory_space<vmem>>, vector<16xf32>,
        %max3A_646 = arith.constant -2.500000e+01 : f32
        %max3A_647 = vector.broadcast %max3A_646 : f32 to vector<16xf32>
        %max3A_648 = arith.maximumf %get3A_645, %max3A_647 : vector<16xf32>
        %min3A_649 = arith.constant 2.500000e+01 : f32
        %min3A_650 = vector.broadcast %min3A_649 : f32 to vector<16xf32>
        %min3A_651 = arith.minimumf %max3A_648, %min3A_650 : vector<16xf32>
        %sub3A_652 = arith.constant -2.500000e+01 : f32
        %sub3A_653 = vector.broadcast %sub3A_652 : f32 to vector<16xf32>
        %sub3A_654 = arith.subf %min3A_651, %sub3A_653 : vector<16xf32>
        %mul3A_655 = vector.broadcast %scan3A : f32 to vector<16xf32>
        %mul3A_656 = arith.mulf %sub3A_654, %mul3A_655 : vector<16xf32>
        %convert_element_type3A_657 = arith.fptosi %mul3A_656 : vector<16xf32> to vector<16xi32>
        %min3A_658 = arith.constant 1023 : i32
        %min3A_659 = vector.broadcast %min3A_658 : i32 to vector<16xi32>
        %min3A_660 = arith.minsi %convert_element_type3A_657, %min3A_659 : vector<16xi32>
        %mul3A_661 = arith.constant 16 : i32
        %mul3A_662 = vector.broadcast %mul3A_661 : i32 to vector<16xi32>
        %mul3A_663 = arith.muli %min3A_660, %mul3A_662 : vector<16xi32>
        %add3A_664 = arith.addi %mul3A_663, %iota3A : vector<16xi32>
        tpu.vector_store_idx %arg5[%add3A_664], %broadcast_in_dim3A_1 {add = true} : memref<16384xf32, #tpu.memory_space<vmem>>[vector<16xi32>], vector<16xf32>,
        %mul3A_665 = arith.constant 25 : i32
        %mul3A_666 = arith.muli %scan3A_47, %mul3A_665 : i32
        %add3A_667 = arith.constant 23 : i32
        %add3A_668 = arith.addi %mul3A_666, %add3A_667 : i32
        %mul3A_669 = arith.constant 16 : i32
        %mul3A_670 = arith.muli %add3A_668, %mul3A_669 : i32
        %get3A_671 = arith.index_cast %mul3A_670 : i32 to index
        %get3A_672 = tpu.vector_load %arg4[%get3A_671] {strides = array<i32>} : memref<100000xf32, #tpu.memory_space<vmem>>, vector<16xf32>,
        %max3A_673 = arith.constant -2.500000e+01 : f32
        %max3A_674 = vector.broadcast %max3A_673 : f32 to vector<16xf32>
        %max3A_675 = arith.maximumf %get3A_672, %max3A_674 : vector<16xf32>
        %min3A_676 = arith.constant 2.500000e+01 : f32
        %min3A_677 = vector.broadcast %min3A_676 : f32 to vector<16xf32>
        %min3A_678 = arith.minimumf %max3A_675, %min3A_677 : vector<16xf32>
        %sub3A_679 = arith.constant -2.500000e+01 : f32
        %sub3A_680 = vector.broadcast %sub3A_679 : f32 to vector<16xf32>
        %sub3A_681 = arith.subf %min3A_678, %sub3A_680 : vector<16xf32>
        %mul3A_682 = vector.broadcast %scan3A : f32 to vector<16xf32>
        %mul3A_683 = arith.mulf %sub3A_681, %mul3A_682 : vector<16xf32>
        %convert_element_type3A_684 = arith.fptosi %mul3A_683 : vector<16xf32> to vector<16xi32>
        %min3A_685 = arith.constant 1023 : i32
        %min3A_686 = vector.broadcast %min3A_685 : i32 to vector<16xi32>
        %min3A_687 = arith.minsi %convert_element_type3A_684, %min3A_686 : vector<16xi32>
        %mul3A_688 = arith.constant 16 : i32
        %mul3A_689 = vector.broadcast %mul3A_688 : i32 to vector<16xi32>
        %mul3A_690 = arith.muli %min3A_687, %mul3A_689 : vector<16xi32>
        %add3A_691 = arith.addi %mul3A_690, %iota3A : vector<16xi32>
        tpu.vector_store_idx %arg5[%add3A_691], %broadcast_in_dim3A_1 {add = true} : memref<16384xf32, #tpu.memory_space<vmem>>[vector<16xi32>], vector<16xf32>,
        %mul3A_692 = arith.constant 25 : i32
        %mul3A_693 = arith.muli %scan3A_47, %mul3A_692 : i32
        %add3A_694 = arith.constant 24 : i32
        %add3A_695 = arith.addi %mul3A_693, %add3A_694 : i32
        %mul3A_696 = arith.constant 16 : i32
        %mul3A_697 = arith.muli %add3A_695, %mul3A_696 : i32
        %get3A_698 = arith.index_cast %mul3A_697 : i32 to index
        %get3A_699 = tpu.vector_load %arg4[%get3A_698] {strides = array<i32>} : memref<100000xf32, #tpu.memory_space<vmem>>, vector<16xf32>,
        %max3A_700 = arith.constant -2.500000e+01 : f32
        %max3A_701 = vector.broadcast %max3A_700 : f32 to vector<16xf32>
        %max3A_702 = arith.maximumf %get3A_699, %max3A_701 : vector<16xf32>
        %min3A_703 = arith.constant 2.500000e+01 : f32
        %min3A_704 = vector.broadcast %min3A_703 : f32 to vector<16xf32>
        %min3A_705 = arith.minimumf %max3A_702, %min3A_704 : vector<16xf32>
        %sub3A_706 = arith.constant -2.500000e+01 : f32
        %sub3A_707 = vector.broadcast %sub3A_706 : f32 to vector<16xf32>
        %sub3A_708 = arith.subf %min3A_705, %sub3A_707 : vector<16xf32>
        %mul3A_709 = vector.broadcast %scan3A : f32 to vector<16xf32>
        %mul3A_710 = arith.mulf %sub3A_708, %mul3A_709 : vector<16xf32>
        %convert_element_type3A_711 = arith.fptosi %mul3A_710 : vector<16xf32> to vector<16xi32>
        %min3A_712 = arith.constant 1023 : i32
        %min3A_713 = vector.broadcast %min3A_712 : i32 to vector<16xi32>
        %min3A_714 = arith.minsi %convert_element_type3A_711, %min3A_713 : vector<16xi32>
        %mul3A_715 = arith.constant 16 : i32
        %mul3A_716 = vector.broadcast %mul3A_715 : i32 to vector<16xi32>
        %mul3A_717 = arith.muli %min3A_714, %mul3A_716 : vector<16xi32>
        %add3A_718 = arith.addi %mul3A_717, %iota3A : vector<16xi32>
        tpu.vector_store_idx %arg5[%add3A_718], %broadcast_in_dim3A_1 {add = true} : memref<16384xf32, #tpu.memory_space<vmem>>[vector<16xi32>], vector<16xf32>,
        %scan3A_719 = arith.constant 0 : i32
        scf.yield %scan3A_719 : i32
      }
      %scan3A_34 = arith.constant 250 : i32
      %scan3A_35 = arith.constant 0 : i32
      %scan3A_36 = arith.constant 1 : i32
      %scan3A_37 = arith.constant 0 : i32
      %scan3A_38 = arith.constant 0 : i32
      %scan3A_39 = arith.constant 64 : i32
      %scan3A_40 = arith.addi %scan3A_38, %scan3A_39 : i32
      %scan3A_41 = arith.constant 1 : i32
      %scan3A_42 = scf.for %scan3A_47 = %scan3A_38 to %scan3A_40 step %scan3A_41 iter_args(%scan3A_48 = %scan3A_37) -> (i32)  : i32 {
        %mul3A_49 = arith.constant 256 : i32
        %mul3A_50 = arith.muli %scan3A_47, %mul3A_49 : i32
        %mul3A_51 = arith.constant 16 : i32
        %mul3A_52 = vector.broadcast %mul3A_51 : i32 to vector<16xi32>
        %mul3A_53 = arith.muli %iota3A, %mul3A_52 : vector<16xi32>
        %add3A_54 = vector.broadcast %mul3A_50 : i32 to vector<16xi32>
        %add3A_55 = arith.addi %add3A_54, %mul3A_53 : vector<16xi32>
        %gather3A = tpu.vector_load_idx %arg5[%add3A_55] : memref<16384xf32, #tpu.memory_space<vmem>>[vector<16xi32>], vector<16xf32>,
        %add3A_56 = arith.constant 1 : i32
        %add3A_57 = vector.broadcast %add3A_56 : i32 to vector<16xi32>
        %add3A_58 = arith.addi %add3A_55, %add3A_57 : vector<16xi32>
        %gather3A_59 = tpu.vector_load_idx %arg5[%add3A_58] : memref<16384xf32, #tpu.memory_space<vmem>>[vector<16xi32>], vector<16xf32>,
        %add3A_60 = arith.addf %gather3A, %gather3A_59 : vector<16xf32>
        %add3A_61 = arith.constant 2 : i32
        %add3A_62 = vector.broadcast %add3A_61 : i32 to vector<16xi32>
        %add3A_63 = arith.addi %add3A_55, %add3A_62 : vector<16xi32>
        %gather3A_64 = tpu.vector_load_idx %arg5[%add3A_63] : memref<16384xf32, #tpu.memory_space<vmem>>[vector<16xi32>], vector<16xf32>,
        %add3A_65 = arith.addf %add3A_60, %gather3A_64 : vector<16xf32>
        %add3A_66 = arith.constant 3 : i32
        %add3A_67 = vector.broadcast %add3A_66 : i32 to vector<16xi32>
        %add3A_68 = arith.addi %add3A_55, %add3A_67 : vector<16xi32>
        %gather3A_69 = tpu.vector_load_idx %arg5[%add3A_68] : memref<16384xf32, #tpu.memory_space<vmem>>[vector<16xi32>], vector<16xf32>,
        %add3A_70 = arith.addf %add3A_65, %gather3A_69 : vector<16xf32>
        %add3A_71 = arith.constant 4 : i32
        %add3A_72 = vector.broadcast %add3A_71 : i32 to vector<16xi32>
        %add3A_73 = arith.addi %add3A_55, %add3A_72 : vector<16xi32>
        %gather3A_74 = tpu.vector_load_idx %arg5[%add3A_73] : memref<16384xf32, #tpu.memory_space<vmem>>[vector<16xi32>], vector<16xf32>,
        %add3A_75 = arith.addf %add3A_70, %gather3A_74 : vector<16xf32>
        %add3A_76 = arith.constant 5 : i32
        %add3A_77 = vector.broadcast %add3A_76 : i32 to vector<16xi32>
        %add3A_78 = arith.addi %add3A_55, %add3A_77 : vector<16xi32>
        %gather3A_79 = tpu.vector_load_idx %arg5[%add3A_78] : memref<16384xf32, #tpu.memory_space<vmem>>[vector<16xi32>], vector<16xf32>,
        %add3A_80 = arith.addf %add3A_75, %gather3A_79 : vector<16xf32>
        %add3A_81 = arith.constant 6 : i32
        %add3A_82 = vector.broadcast %add3A_81 : i32 to vector<16xi32>
        %add3A_83 = arith.addi %add3A_55, %add3A_82 : vector<16xi32>
        %gather3A_84 = tpu.vector_load_idx %arg5[%add3A_83] : memref<16384xf32, #tpu.memory_space<vmem>>[vector<16xi32>], vector<16xf32>,
        %add3A_85 = arith.addf %add3A_80, %gather3A_84 : vector<16xf32>
        %add3A_86 = arith.constant 7 : i32
        %add3A_87 = vector.broadcast %add3A_86 : i32 to vector<16xi32>
        %add3A_88 = arith.addi %add3A_55, %add3A_87 : vector<16xi32>
        %gather3A_89 = tpu.vector_load_idx %arg5[%add3A_88] : memref<16384xf32, #tpu.memory_space<vmem>>[vector<16xi32>], vector<16xf32>,
        %add3A_90 = arith.addf %add3A_85, %gather3A_89 : vector<16xf32>
        %add3A_91 = arith.constant 8 : i32
        %add3A_92 = vector.broadcast %add3A_91 : i32 to vector<16xi32>
        %add3A_93 = arith.addi %add3A_55, %add3A_92 : vector<16xi32>
        %gather3A_94 = tpu.vector_load_idx %arg5[%add3A_93] : memref<16384xf32, #tpu.memory_space<vmem>>[vector<16xi32>], vector<16xf32>,
        %add3A_95 = arith.addf %add3A_90, %gather3A_94 : vector<16xf32>
        %add3A_96 = arith.constant 9 : i32
        %add3A_97 = vector.broadcast %add3A_96 : i32 to vector<16xi32>
        %add3A_98 = arith.addi %add3A_55, %add3A_97 : vector<16xi32>
        %gather3A_99 = tpu.vector_load_idx %arg5[%add3A_98] : memref<16384xf32, #tpu.memory_space<vmem>>[vector<16xi32>], vector<16xf32>,
        %add3A_100 = arith.addf %add3A_95, %gather3A_99 : vector<16xf32>
        %add3A_101 = arith.constant 10 : i32
        %add3A_102 = vector.broadcast %add3A_101 : i32 to vector<16xi32>
        %add3A_103 = arith.addi %add3A_55, %add3A_102 : vector<16xi32>
        %gather3A_104 = tpu.vector_load_idx %arg5[%add3A_103] : memref<16384xf32, #tpu.memory_space<vmem>>[vector<16xi32>], vector<16xf32>,
        %add3A_105 = arith.addf %add3A_100, %gather3A_104 : vector<16xf32>
        %add3A_106 = arith.constant 11 : i32
        %add3A_107 = vector.broadcast %add3A_106 : i32 to vector<16xi32>
        %add3A_108 = arith.addi %add3A_55, %add3A_107 : vector<16xi32>
        %gather3A_109 = tpu.vector_load_idx %arg5[%add3A_108] : memref<16384xf32, #tpu.memory_space<vmem>>[vector<16xi32>], vector<16xf32>,
        %add3A_110 = arith.addf %add3A_105, %gather3A_109 : vector<16xf32>
        %add3A_111 = arith.constant 12 : i32
        %add3A_112 = vector.broadcast %add3A_111 : i32 to vector<16xi32>
        %add3A_113 = arith.addi %add3A_55, %add3A_112 : vector<16xi32>
        %gather3A_114 = tpu.vector_load_idx %arg5[%add3A_113] : memref<16384xf32, #tpu.memory_space<vmem>>[vector<16xi32>], vector<16xf32>,
        %add3A_115 = arith.addf %add3A_110, %gather3A_114 : vector<16xf32>
        %add3A_116 = arith.constant 13 : i32
        %add3A_117 = vector.broadcast %add3A_116 : i32 to vector<16xi32>
        %add3A_118 = arith.addi %add3A_55, %add3A_117 : vector<16xi32>
        %gather3A_119 = tpu.vector_load_idx %arg5[%add3A_118] : memref<16384xf32, #tpu.memory_space<vmem>>[vector<16xi32>], vector<16xf32>,
        %add3A_120 = arith.addf %add3A_115, %gather3A_119 : vector<16xf32>
        %add3A_121 = arith.constant 14 : i32
        %add3A_122 = vector.broadcast %add3A_121 : i32 to vector<16xi32>
        %add3A_123 = arith.addi %add3A_55, %add3A_122 : vector<16xi32>
        %gather3A_124 = tpu.vector_load_idx %arg5[%add3A_123] : memref<16384xf32, #tpu.memory_space<vmem>>[vector<16xi32>], vector<16xf32>,
        %add3A_125 = arith.addf %add3A_120, %gather3A_124 : vector<16xf32>
        %add3A_126 = arith.constant 15 : i32
        %add3A_127 = vector.broadcast %add3A_126 : i32 to vector<16xi32>
        %add3A_128 = arith.addi %add3A_55, %add3A_127 : vector<16xi32>
        %gather3A_129 = tpu.vector_load_idx %arg5[%add3A_128] : memref<16384xf32, #tpu.memory_space<vmem>>[vector<16xi32>], vector<16xf32>,
        %add3A_130 = arith.addf %add3A_125, %gather3A_129 : vector<16xf32>
        %mul3A_131 = arith.constant 16 : i32
        %mul3A_132 = arith.muli %scan3A_47, %mul3A_131 : i32
        %swap3A = arith.index_cast %mul3A_132 : i32 to index
        %swap3A_133 = tpu.vector_load %arg6[%swap3A] {strides = array<i32>} : memref<1024xf32, #tpu.memory_space<vmem>>, vector<16xf32>,
        tpu.vector_store %arg6[%swap3A], %add3A_130 {strides = array<i32>} : memref<1024xf32, #tpu.memory_space<vmem>>, vector<16xf32>,
        %scan3A_134 = arith.constant 0 : i32
        scf.yield %scan3A_134 : i32
      }
      %scan3A_43 = arith.constant 64 : i32
      %mul3A_44 = arith.constant 1024 : i32
      %mul3A_45 = arith.muli %add3A_13, %mul3A_44 : i32
      "tpu.region"() ({
        %run_scoped3A = tpu.sem_alloc : memref<!tpu.dma_semaphore, #tpu.memory_space<semaphore_mem>>
        %dma_start3A = tpu.memref_slice %arg3[%mul3A_45] : memref<1048576xf32, #tpu.memory_space<hbm>> -> memref<1024xf32, #tpu.memory_space<hbm>>
        %dma_start3A_47 = tpu.memref_slice %arg3[%mul3A_45] : memref<1048576xf32, #tpu.memory_space<hbm>> -> memref<1024xf32, #tpu.memory_space<hbm>>
        tpu.enqueue_dma source(%arg6 : memref<1024xf32, #tpu.memory_space<vmem>>) target(%dma_start3A_47 : memref<1024xf32, #tpu.memory_space<hbm>>) target_semaphore(%run_scoped3A : memref<!tpu.dma_semaphore, #tpu.memory_space<semaphore_mem>>)
        %dma_wait3A = tpu.memref_slice %arg3[%mul3A_45] : memref<1048576xf32, #tpu.memory_space<hbm>> -> memref<1024xf32, #tpu.memory_space<hbm>>
        %dma_wait3A_48 = tpu.memref_slice %arg3[%mul3A_45] : memref<1048576xf32, #tpu.memory_space<hbm>> -> memref<1024xf32, #tpu.memory_space<hbm>>
        tpu.wait_dma2 semaphore(%run_scoped3A : memref<!tpu.dma_semaphore, #tpu.memory_space<semaphore_mem>>) src(%arg6 : memref<1024xf32, #tpu.memory_space<vmem>>) dst(%dma_wait3A_48 : memref<1024xf32, #tpu.memory_space<hbm>>)
        tpu.yield
      }) : () -> ()
      %scan3A_46 = arith.constant 0 : i32
      scf.yield %scan3A_46 : i32
    }
    %scan3A_8 = arith.constant 32 : i32
    return
  }
}

module attributes {stable_mosaic.version = 14 : i64} {
  func.func @_tc_body(%arg0: i32, %arg1: memref<1024x1024xf32, #tpu.memory_space<vmem>>, %arg2: memref<1024x1024xf32, #tpu.memory_space<vmem>>, %arg3: memref<1024x1xi32, #tpu.memory_space<vmem>>, %arg4: memref<1x1xf32, #tpu.memory_space<vmem>>, %arg5: memref<1024x2xf32, #tpu.memory_space<vmem>>, %arg6: memref<1024x8xf32, #tpu.memory_space<vmem>>) attributes {dimension_semantics = [#tpu.dimension_semantics<arbitrary>], iteration_bounds = array<i64: 99>, scalar_prefetch = 0 : i64, scratch_operands = 2 : i64, tpu.core_type = #tpu.core_type<tc>, window_params = [{pipeline_mode = #tpu.pipeline_mode<synchronous>, transform_indices = @transform_0, window_bounds = array<i64: 1024, 1024>}, {transform_indices = @transform_1, window_bounds = array<i64: 1024, 1024>}, {pipeline_mode = #tpu.pipeline_mode<synchronous>, transform_indices = @transform_2, window_bounds = array<i64: 1024, 1>}, {pipeline_mode = #tpu.pipeline_mode<synchronous>, transform_indices = @transform_3, window_bounds = array<i64: 1, 1>}]} {
    %eq3A = arith.constant 0 : i32
    %eq3A_0 = arith.cmpi eq, %arg0, %eq3A : i32
    %convert_element_type3A = arith.extui %eq3A_0 : i1 to i32
    %cond3A = arith.constant 1.000000e+03 : f32
    %cond3A_1 = arith.constant 0 : i32
    %cond3A_2 = arith.cmpi ne, %convert_element_type3A, %cond3A_1 : i32
    scf.if %cond3A_2 {
      %get3A = arith.constant 0 : index
      %get3A_13 = arith.constant 0 : index
      %get3A_14 = vector.load %arg1[%get3A, %get3A_13] : memref<1024x1024xf32, #tpu.memory_space<vmem>>, vector<1024x1024xf32>
      %iota3A = tpu.iota {dimensions = array<i32: 0>} : vector<1024x1024xi32>
      %iota3A_15 = tpu.iota {dimensions = array<i32: 1>} : vector<1024x1024xi32>
      %le3A = arith.cmpi sle, %iota3A, %iota3A_15 : vector<1024x1024xi32>
      %convert_element_type3A_16 = arith.extui %le3A : vector<1024x1024xi1> to vector<1024x1024xi32>
      %convert_element_type3A_17 = arith.sitofp %convert_element_type3A_16 : vector<1024x1024xi32> to vector<1024x1024xf32>
      %dot_general3A = arith.constant dense<0.000000e+00> : vector<1024x1024xf32>
      %dot_general3A_18 = tpu.matmul %get3A_14, %convert_element_type3A_17, %dot_general3A {dimension_numbers = #tpu.dot_dimension_numbers<[1], [0], [0], [1], [0, 0, 1, 1], [], []>, transpose_lhs_hint = false} : vector<1024x1024xf32>, vector<1024x1024xf32>, vector<1024x1024xf32> -> vector<1024x1024xf32>
      %slice3A = vector.extract_strided_slice %dot_general3A_18 {offsets = [0, 1023], sizes = [1024, 1], strides = [1, 1]} : vector<1024x1024xf32> to vector<1024x1xf32>
      %sub3A = vector.broadcast %cond3A : f32 to vector<1024x1xf32>
      %sub3A_19 = arith.subf %slice3A, %sub3A : vector<1024x1xf32>
      %lt3A = vector.broadcast %sub3A_19 : vector<1024x1xf32> to vector<1024x1024xf32>
      %lt3A_20 = arith.cmpf olt, %dot_general3A_18, %lt3A : vector<1024x1024xf32>
      %convert_element_type3A_21 = arith.extui %lt3A_20 : vector<1024x1024xi1> to vector<1024x1024xi32>
      %convert_element_type3A_22 = arith.sitofp %convert_element_type3A_21 : vector<1024x1024xi32> to vector<1024x1024xf32>
      %reduce_sum3A = arith.constant dense<0.000000e+00> : vector<1024xf32>
      %reduce_sum3A_23 = vector.multi_reduction <add>, %convert_element_type3A_22, %reduce_sum3A [1] : vector<1024x1024xf32> to vector<1024xf32>
      %broadcast_in_dim3A = vector.shape_cast %reduce_sum3A_23 : vector<1024xf32> to vector<1024x1xf32>
      %mul3A = arith.constant 0.048828125 : f32
      %mul3A_24 = vector.broadcast %mul3A : f32 to vector<1024x1xf32>
      %mul3A_25 = arith.mulf %broadcast_in_dim3A, %mul3A_24 : vector<1024x1xf32>
      %add3A = arith.constant -2.500000e+01 : f32
      %add3A_26 = vector.broadcast %add3A : f32 to vector<1024x1xf32>
      %add3A_27 = arith.addf %add3A_26, %mul3A_25 : vector<1024x1xf32>
      %swap3A = arith.constant 0 : index
      %swap3A_28 = arith.constant 0 : index
      %swap3A_29 = vector.load %arg5[%swap3A, %swap3A_28] : memref<1024x2xf32, #tpu.memory_space<vmem>>, vector<1024x1xf32>
      tpu.vector_store %arg5[%swap3A, %swap3A_28], %add3A_27 {strides = array<i32>} : memref<1024x2xf32, #tpu.memory_space<vmem>>, vector<1024x1xf32>,
      %add3A_30 = arith.constant 0.048828125 : f32
      %add3A_31 = vector.broadcast %add3A_30 : f32 to vector<1024x1xf32>
      %add3A_32 = arith.addf %add3A_27, %add3A_31 : vector<1024x1xf32>
      %swap3A_33 = arith.constant 0 : index
      %swap3A_34 = arith.constant 1 : index
      %swap3A_35 = vector.load %arg5[%swap3A_33, %swap3A_34] : memref<1024x2xf32, #tpu.memory_space<vmem>>, vector<1024x1xf32>
      tpu.vector_store %arg5[%swap3A_33, %swap3A_34], %add3A_32 {strides = array<i32>} : memref<1024x2xf32, #tpu.memory_space<vmem>>, vector<1024x1xf32>,
      %broadcast_in_dim3A_36 = arith.constant 0.000000e+00 : f32
      %broadcast_in_dim3A_37 = vector.broadcast %broadcast_in_dim3A_36 : f32 to vector<1024x8xf32>
      %swap3A_38 = arith.constant 0 : index
      %swap3A_39 = arith.constant 0 : index
      %swap3A_40 = vector.load %arg6[%swap3A_38, %swap3A_39] : memref<1024x8xf32, #tpu.memory_space<vmem>>, vector<1024x8xf32>
      tpu.vector_store %arg6[%swap3A_38, %swap3A_39], %broadcast_in_dim3A_37 {strides = array<i32>} : memref<1024x8xf32, #tpu.memory_space<vmem>>, vector<1024x8xf32>,
      %broadcast_in_dim3A_41 = arith.constant 0.000000e+00 : f32
      %broadcast_in_dim3A_42 = vector.broadcast %broadcast_in_dim3A_41 : f32 to vector<1x1xf32>
      %swap3A_43 = arith.constant 0 : index
      %swap3A_44 = arith.constant 0 : index
      %swap3A_45 = vector.load %arg4[%swap3A_43, %swap3A_44] : memref<1x1xf32, #tpu.memory_space<vmem>>, vector<1x1xf32>
      tpu.vector_store %arg4[%swap3A_43, %swap3A_44], %broadcast_in_dim3A_42 {strides = array<i32>} : memref<1x1xf32, #tpu.memory_space<vmem>>, vector<1x1xf32>,
    } else {
    }
    %gt3A = arith.constant 0 : i32
    %gt3A_3 = arith.cmpi sgt, %arg0, %gt3A : i32
    %convert_element_type3A_4 = arith.extui %gt3A_3 : i1 to i32
    %cond3A_5 = arith.constant 0 : i32
    %cond3A_6 = arith.cmpi ne, %convert_element_type3A_4, %cond3A_5 : i32
    scf.if %cond3A_6 {
      %sub3A = arith.constant 1 : i32
      %sub3A_13 = arith.subi %arg0, %sub3A : i32
      %get3A = arith.constant 0 : index
      %get3A_14 = arith.constant 0 : index
      %get3A_15 = vector.load %arg2[%get3A, %get3A_14] : memref<1024x1024xf32, #tpu.memory_space<vmem>>, vector<1024x1024xf32>
      %get3A_16 = arith.constant 0 : index
      %get3A_17 = arith.constant 0 : index
      %get3A_18 = vector.load %arg3[%get3A_16, %get3A_17] : memref<1024x1xi32, #tpu.memory_space<vmem>>, vector<1024x1xi32>
      %iota3A = tpu.iota {dimensions = array<i32: 1>} : vector<1024x1024xi32>
      %mul3A = arith.constant 1024 : i32
      %mul3A_19 = arith.muli %sub3A_13, %mul3A : i32
      %add3A = vector.broadcast %mul3A_19 : i32 to vector<1024x1024xi32>
      %add3A_20 = arith.addi %iota3A, %add3A : vector<1024x1024xi32>
      %lt3A = arith.constant 100000 : i32
      %lt3A_21 = vector.broadcast %lt3A : i32 to vector<1024x1024xi32>
      %lt3A_22 = arith.cmpi slt, %add3A_20, %lt3A_21 : vector<1024x1024xi32>
      %eq3A_23 = vector.broadcast %get3A_18 : vector<1024x1xi32> to vector<1024x1024xi32>
      %eq3A_24 = arith.cmpi eq, %add3A_20, %eq3A_23 : vector<1024x1024xi32>
      %not3A = arith.constant dense<true> : vector<1024x1024xi1>
      %not3A_25 = arith.xori %lt3A_22, %not3A : vector<1024x1024xi1>
      %or3A = arith.ori %eq3A_24, %not3A_25 : vector<1024x1024xi1>
      %jit3A = arith.constant -2.500000e+01 : f32
      %jit3A_26 = arith.constant 2.500000e+01 : f32
      %max3A = vector.broadcast %jit3A : f32 to vector<1024x1024xf32>
      %max3A_27 = arith.maximumf %max3A, %get3A_15 : vector<1024x1024xf32>
      %min3A = vector.broadcast %jit3A_26 : f32 to vector<1024x1024xf32>
      %min3A_28 = arith.minimumf %min3A, %max3A_27 : vector<1024x1024xf32>
      %jit3A_29 = arith.constant -2.500000e+01 : f32
      %broadcast_in_dim3A = vector.broadcast %jit3A_29 : f32 to vector<1024x1024xf32>
      %select_n3A = arith.select %or3A, %broadcast_in_dim3A, %min3A_28 : vector<1024x1024xi1>, vector<1024x1024xf32>
      %get3A_30 = arith.constant 0 : index
      %get3A_31 = arith.constant 0 : index
      %get3A_32 = vector.load %arg5[%get3A_30, %get3A_31] : memref<1024x2xf32, #tpu.memory_space<vmem>>, vector<1024x1xf32>
      %get3A_33 = arith.constant 0 : index
      %get3A_34 = arith.constant 1 : index
      %get3A_35 = vector.load %arg5[%get3A_33, %get3A_34] : memref<1024x2xf32, #tpu.memory_space<vmem>>, vector<1024x1xf32>
      %max3A_36 = arith.constant 0.000000e+00 : f32
      %max3A_37 = vector.broadcast %max3A_36 : f32 to vector<1024x1024xf32>
      %max3A_38 = arith.maximumf %get3A_15, %max3A_37 : vector<1024x1024xf32>
      %abs3A = math.absf %get3A_15 : vector<1024x1024xf32>
      %neg3A = arith.constant 0.000000e+00 : f32
      %neg3A_39 = vector.broadcast %neg3A : f32 to vector<1024x1024xf32>
      %neg3A_40 = arith.subf %neg3A_39, %abs3A : vector<1024x1024xf32>
      %exp3A = math.exp %neg3A_40 : vector<1024x1024xf32>
      %log1p3A = math.log1p %exp3A : vector<1024x1024xf32>
      %add3A_41 = arith.addf %max3A_38, %log1p3A : vector<1024x1024xf32>
      %jit3A_42 = arith.constant 0.000000e+00 : f32
      %broadcast_in_dim3A_43 = vector.broadcast %jit3A_42 : f32 to vector<1024x1024xf32>
      %select_n3A_44 = arith.select %lt3A_22, %add3A_41, %broadcast_in_dim3A_43 : vector<1024x1024xi1>, vector<1024x1024xf32>
      %gt3A_45 = vector.broadcast %get3A_35 : vector<1024x1xf32> to vector<1024x1024xf32>
      %gt3A_46 = arith.cmpf ogt, %select_n3A, %gt3A_45 : vector<1024x1024xf32>
      %convert_element_type3A_47 = arith.extui %gt3A_46 : vector<1024x1024xi1> to vector<1024x1024xi32>
      %convert_element_type3A_48 = arith.sitofp %convert_element_type3A_47 : vector<1024x1024xi32> to vector<1024x1024xf32>
      %gt3A_49 = vector.broadcast %get3A_32 : vector<1024x1xf32> to vector<1024x1024xf32>
      %gt3A_50 = arith.cmpf ogt, %select_n3A, %gt3A_49 : vector<1024x1024xf32>
      %le3A = vector.broadcast %get3A_35 : vector<1024x1xf32> to vector<1024x1024xf32>
      %le3A_51 = arith.cmpf ole, %select_n3A, %le3A : vector<1024x1024xf32>
      %and3A = arith.andi %gt3A_50, %le3A_51 : vector<1024x1024xi1>
      %convert_element_type3A_52 = arith.extui %and3A : vector<1024x1024xi1> to vector<1024x1024xi32>
      %convert_element_type3A_53 = arith.sitofp %convert_element_type3A_52 : vector<1024x1024xi32> to vector<1024x1024xf32>
      %get3A_54 = arith.constant 0 : index
      %get3A_55 = arith.constant 0 : index
      %get3A_56 = vector.load %arg6[%get3A_54, %get3A_55] : memref<1024x8xf32, #tpu.memory_space<vmem>>, vector<1024x1xf32>
      %mul3A_57 = arith.mulf %select_n3A_44, %convert_element_type3A_48 : vector<1024x1024xf32>
      %reduce_sum3A = arith.constant dense<0.000000e+00> : vector<1024xf32>
      %reduce_sum3A_58 = vector.multi_reduction <add>, %mul3A_57, %reduce_sum3A [1] : vector<1024x1024xf32> to vector<1024xf32>
      %broadcast_in_dim3A_59 = vector.shape_cast %reduce_sum3A_58 : vector<1024xf32> to vector<1024x1xf32>
      %add3A_60 = arith.addf %get3A_56, %broadcast_in_dim3A_59 : vector<1024x1xf32>
      %swap3A = arith.constant 0 : index
      %swap3A_61 = arith.constant 0 : index
      %swap3A_62 = vector.load %arg6[%swap3A, %swap3A_61] : memref<1024x8xf32, #tpu.memory_space<vmem>>, vector<1024x1xf32>
      tpu.vector_store %arg6[%swap3A, %swap3A_61], %add3A_60 {strides = array<i32>} : memref<1024x8xf32, #tpu.memory_space<vmem>>, vector<1024x1xf32>,
      %get3A_63 = arith.constant 0 : index
      %get3A_64 = arith.constant 1 : index
      %get3A_65 = vector.load %arg6[%get3A_63, %get3A_64] : memref<1024x8xf32, #tpu.memory_space<vmem>>, vector<1024x1xf32>
      %reduce_sum3A_66 = arith.constant dense<0.000000e+00> : vector<1024xf32>
      %reduce_sum3A_67 = vector.multi_reduction <add>, %convert_element_type3A_48, %reduce_sum3A_66 [1] : vector<1024x1024xf32> to vector<1024xf32>
      %broadcast_in_dim3A_68 = vector.shape_cast %reduce_sum3A_67 : vector<1024xf32> to vector<1024x1xf32>
      %add3A_69 = arith.addf %get3A_65, %broadcast_in_dim3A_68 : vector<1024x1xf32>
      %swap3A_70 = arith.constant 0 : index
      %swap3A_71 = arith.constant 1 : index
      %swap3A_72 = vector.load %arg6[%swap3A_70, %swap3A_71] : memref<1024x8xf32, #tpu.memory_space<vmem>>, vector<1024x1xf32>
      tpu.vector_store %arg6[%swap3A_70, %swap3A_71], %add3A_69 {strides = array<i32>} : memref<1024x8xf32, #tpu.memory_space<vmem>>, vector<1024x1xf32>,
      %get3A_73 = arith.constant 0 : index
      %get3A_74 = arith.constant 2 : index
      %get3A_75 = vector.load %arg6[%get3A_73, %get3A_74] : memref<1024x8xf32, #tpu.memory_space<vmem>>, vector<1024x1xf32>
      %mul3A_76 = arith.mulf %select_n3A_44, %convert_element_type3A_53 : vector<1024x1024xf32>
      %reduce_sum3A_77 = arith.constant dense<0.000000e+00> : vector<1024xf32>
      %reduce_sum3A_78 = vector.multi_reduction <add>, %mul3A_76, %reduce_sum3A_77 [1] : vector<1024x1024xf32> to vector<1024xf32>
      %broadcast_in_dim3A_79 = vector.shape_cast %reduce_sum3A_78 : vector<1024xf32> to vector<1024x1xf32>
      %add3A_80 = arith.addf %get3A_75, %broadcast_in_dim3A_79 : vector<1024x1xf32>
      %swap3A_81 = arith.constant 0 : index
      %swap3A_82 = arith.constant 2 : index
      %swap3A_83 = vector.load %arg6[%swap3A_81, %swap3A_82] : memref<1024x8xf32, #tpu.memory_space<vmem>>, vector<1024x1xf32>
      tpu.vector_store %arg6[%swap3A_81, %swap3A_82], %add3A_80 {strides = array<i32>} : memref<1024x8xf32, #tpu.memory_space<vmem>>, vector<1024x1xf32>,
      %get3A_84 = arith.constant 0 : index
      %get3A_85 = arith.constant 3 : index
      %get3A_86 = vector.load %arg6[%get3A_84, %get3A_85] : memref<1024x8xf32, #tpu.memory_space<vmem>>, vector<1024x1xf32>
      %reduce_sum3A_87 = arith.constant dense<0.000000e+00> : vector<1024xf32>
      %reduce_sum3A_88 = vector.multi_reduction <add>, %convert_element_type3A_53, %reduce_sum3A_87 [1] : vector<1024x1024xf32> to vector<1024xf32>
      %broadcast_in_dim3A_89 = vector.shape_cast %reduce_sum3A_88 : vector<1024xf32> to vector<1024x1xf32>
      %add3A_90 = arith.addf %get3A_86, %broadcast_in_dim3A_89 : vector<1024x1xf32>
      %swap3A_91 = arith.constant 0 : index
      %swap3A_92 = arith.constant 3 : index
      %swap3A_93 = vector.load %arg6[%swap3A_91, %swap3A_92] : memref<1024x8xf32, #tpu.memory_space<vmem>>, vector<1024x1xf32>
      tpu.vector_store %arg6[%swap3A_91, %swap3A_92], %add3A_90 {strides = array<i32>} : memref<1024x8xf32, #tpu.memory_space<vmem>>, vector<1024x1xf32>,
      %get3A_94 = arith.constant 0 : index
      %get3A_95 = arith.constant 4 : index
      %get3A_96 = vector.load %arg6[%get3A_94, %get3A_95] : memref<1024x8xf32, #tpu.memory_space<vmem>>, vector<1024x1xf32>
      %and3A_97 = arith.andi %eq3A_24, %lt3A_22 : vector<1024x1024xi1>
      %sub3A_98 = arith.subf %get3A_15, %add3A_41 : vector<1024x1024xf32>
      %jit3A_99 = arith.constant 0.000000e+00 : f32
      %broadcast_in_dim3A_100 = vector.broadcast %jit3A_99 : f32 to vector<1024x1024xf32>
      %select_n3A_101 = arith.select %and3A_97, %sub3A_98, %broadcast_in_dim3A_100 : vector<1024x1024xi1>, vector<1024x1024xf32>
      %reduce_sum3A_102 = arith.constant dense<0.000000e+00> : vector<1024xf32>
      %reduce_sum3A_103 = vector.multi_reduction <add>, %select_n3A_101, %reduce_sum3A_102 [1] : vector<1024x1024xf32> to vector<1024xf32>
      %broadcast_in_dim3A_104 = vector.shape_cast %reduce_sum3A_103 : vector<1024xf32> to vector<1024x1xf32>
      %add3A_105 = arith.addf %get3A_96, %broadcast_in_dim3A_104 : vector<1024x1xf32>
      %swap3A_106 = arith.constant 0 : index
      %swap3A_107 = arith.constant 4 : index
      %swap3A_108 = vector.load %arg6[%swap3A_106, %swap3A_107] : memref<1024x8xf32, #tpu.memory_space<vmem>>, vector<1024x1xf32>
      tpu.vector_store %arg6[%swap3A_106, %swap3A_107], %add3A_105 {strides = array<i32>} : memref<1024x8xf32, #tpu.memory_space<vmem>>, vector<1024x1xf32>,
    } else {
    }
    %eq3A_7 = arith.constant 98 : i32
    %eq3A_8 = arith.cmpi eq, %arg0, %eq3A_7 : i32
    %convert_element_type3A_9 = arith.extui %eq3A_8 : i1 to i32
    %cond3A_10 = arith.constant 1.000000e+03 : f32
    %cond3A_11 = arith.constant 0 : i32
    %cond3A_12 = arith.cmpi ne, %convert_element_type3A_9, %cond3A_11 : i32
    scf.if %cond3A_12 {
      %get3A = arith.constant 0 : index
      %get3A_13 = arith.constant 0 : index
      %get3A_14 = vector.load %arg6[%get3A, %get3A_13] : memref<1024x8xf32, #tpu.memory_space<vmem>>, vector<1024x1xf32>
      %get3A_15 = arith.constant 0 : index
      %get3A_16 = arith.constant 1 : index
      %get3A_17 = vector.load %arg6[%get3A_15, %get3A_16] : memref<1024x8xf32, #tpu.memory_space<vmem>>, vector<1024x1xf32>
      %get3A_18 = arith.constant 0 : index
      %get3A_19 = arith.constant 2 : index
      %get3A_20 = vector.load %arg6[%get3A_18, %get3A_19] : memref<1024x8xf32, #tpu.memory_space<vmem>>, vector<1024x1xf32>
      %get3A_21 = arith.constant 0 : index
      %get3A_22 = arith.constant 3 : index
      %get3A_23 = vector.load %arg6[%get3A_21, %get3A_22] : memref<1024x8xf32, #tpu.memory_space<vmem>>, vector<1024x1xf32>
      %get3A_24 = arith.constant 0 : index
      %get3A_25 = arith.constant 4 : index
      %get3A_26 = vector.load %arg6[%get3A_24, %get3A_25] : memref<1024x8xf32, #tpu.memory_space<vmem>>, vector<1024x1xf32>
      %sub3A = vector.broadcast %cond3A_10 : f32 to vector<1024x1xf32>
      %sub3A_27 = arith.subf %sub3A, %get3A_17 : vector<1024x1xf32>
      %max3A = arith.constant 0.000000e+00 : f32
      %max3A_28 = vector.broadcast %max3A : f32 to vector<1024x1xf32>
      %max3A_29 = arith.maximumf %sub3A_27, %max3A_28 : vector<1024x1xf32>
      %max3A_30 = arith.constant 1.000000e+00 : f32
      %max3A_31 = vector.broadcast %max3A_30 : f32 to vector<1024x1xf32>
      %max3A_32 = arith.maximumf %get3A_23, %max3A_31 : vector<1024x1xf32>
      %div3A = arith.divf %get3A_20, %max3A_32 : vector<1024x1xf32>
      %mul3A = arith.mulf %max3A_29, %div3A : vector<1024x1xf32>
      %add3A = arith.addf %get3A_14, %mul3A : vector<1024x1xf32>
      %reduce_sum3A = vector.shape_cast %get3A_26 : vector<1024x1xf32> to vector<1x1024x1xf32>
      %reduce_sum3A_33 = arith.constant dense<0.000000e+00> : vector<1xf32>
      %reduce_sum3A_34 = vector.multi_reduction <add>, %reduce_sum3A, %reduce_sum3A_33 [1, 2] : vector<1x1024x1xf32> to vector<1xf32>
      %reduce_sum3A_35 = vector.shape_cast %reduce_sum3A_34 : vector<1xf32> to vector<1x1x1xf32>
      %reduce_sum3A_36 = vector.extract %reduce_sum3A_35[0, 0, 0] : f32 from vector<1x1x1xf32>
      %mul3A_37 = arith.constant -9.765625E-4 : f32
      %mul3A_38 = arith.mulf %mul3A_37, %reduce_sum3A_36 : f32
      %mul3A_39 = arith.constant 1.024000e+03 : f32
      %mul3A_40 = arith.mulf %mul3A_39, %cond3A_10 : f32
      %div3A_41 = arith.constant 0.899999976 : f32
      %div3A_42 = arith.divf %div3A_41, %mul3A_40 : f32
      %reduce_sum3A_43 = vector.shape_cast %add3A : vector<1024x1xf32> to vector<1x1024x1xf32>
      %reduce_sum3A_44 = arith.constant dense<0.000000e+00> : vector<1xf32>
      %reduce_sum3A_45 = vector.multi_reduction <add>, %reduce_sum3A_43, %reduce_sum3A_44 [1, 2] : vector<1x1024x1xf32> to vector<1xf32>
      %reduce_sum3A_46 = vector.shape_cast %reduce_sum3A_45 : vector<1xf32> to vector<1x1x1xf32>
      %reduce_sum3A_47 = vector.extract %reduce_sum3A_46[0, 0, 0] : f32 from vector<1x1x1xf32>
      %mul3A_48 = arith.mulf %div3A_42, %reduce_sum3A_47 : f32
      %add3A_49 = arith.addf %mul3A_38, %mul3A_48 : f32
      %reshape3A = vector.broadcast %add3A_49 : f32 to vector<1x1xf32>
      %swap3A = arith.constant 0 : index
      %swap3A_50 = arith.constant 0 : index
      %swap3A_51 = vector.load %arg4[%swap3A, %swap3A_50] : memref<1x1xf32, #tpu.memory_space<vmem>>, vector<1x1xf32>
      tpu.vector_store %arg4[%swap3A, %swap3A_50], %reshape3A {strides = array<i32>} : memref<1x1xf32, #tpu.memory_space<vmem>>, vector<1x1xf32>,
    } else {
    }
    return
  }
  func.func @transform_0(%arg0: i32) -> (i32, i32) {
    %c0_i32 = arith.constant 0 : i32
    %c0_i32_0 = arith.constant 0 : i32
    %c0_i32_1 = arith.constant 0 : i32
    return %c0_i32, %c0_i32_0 : i32, i32
  }
  func.func @transform_1(%arg0: i32) -> (i32, i32) {
    %sub3A = arith.constant 1 : i32
    %sub3A_0 = arith.subi %arg0, %sub3A : i32
    %max3A = arith.constant 0 : i32
    %max3A_1 = arith.maxsi %sub3A_0, %max3A : i32
    %c0_i32 = arith.constant 0 : i32
    %c0_i32_2 = arith.constant 0 : i32
    return %c0_i32, %max3A_1 : i32, i32
  }
  func.func @transform_2(%arg0: i32) -> (i32, i32) {
    %c0_i32 = arith.constant 0 : i32
    %c0_i32_0 = arith.constant 0 : i32
    %c0_i32_1 = arith.constant 0 : i32
    return %c0_i32, %c0_i32_0 : i32, i32
  }
  func.func @transform_3(%arg0: i32) -> (i32, i32) {
    %c0_i32 = arith.constant 0 : i32
    %c0_i32_0 = arith.constant 0 : i32
    %c0_i32_1 = arith.constant 0 : i32
    return %c0_i32, %c0_i32_0 : i32, i32
  }
}

</mosaic_0001>

<sc_bundles>
// kernel: kernel.4.cloned.1.call-start
scs
__scs_entry_jumppad:
0x0: {  	(pc) =	sbr.rel $0x88, $3  }
0x1: {  	(tag) =	ssettag $0x0;
	lr =	simm.s32 $0x1  }
0x2: {  	[smem:$0x3F9F] =	sst lr;
	_ =	strace $0xD0000000  }
0x3: {  	_ = 	snop  }
0x4: {  	_ = 	snop  }
0x5: {  	_ = 	snop  }
0x6: {  	_ = 	snop  }
0x7: {  	_ = 	snop  }
__scs_overlays_trampoline_lowered:
0x8: {  	[smem:$0x3FAE] =	sst s0  }
0x9: {  	[smem:$0x3FAF] =	sst s1  }
0xa: {  	[smem:$0x3FB0] =	sst s2  }
0xb: {  	[smem:$0x3FB1] =	sst s3  }
0xc: {  	[smem:$0x3FB2] =	sst s4  }
0xd: {  	[smem:$0x3FB3] =	sst s5  }
0xe: {  	[smem:$0x3FB4] =	sst s6  }
0xf: {  	[smem:$0x3FB5] =	sst s7  }
0x10: {  	[smem:$0x3FB6] =	sst s8  }
0x11: {  	[smem:$0x3FB7] =	sst s9;
	s0 =	simm.s32 @!p0 $0x0  }
0x12: {  	s1 =	sld [smem:$0x3F9D];
	s0 =	simm.s32 @p0 $0x1  }
0x13: {  	[smem:$0x3FB8] =	sst s0;
	s0 =	simm.s32 @!p1 $0x0  }
0x14: {  	s2 =	sld [smem:$0x3F9C];
	s0 =	simm.s32 @p1 $0x1  }
0x15: {  	[smem:$0x3FB9] =	sst s0;
	s0 =	simm.s32 @!p2 $0x0  }
0x16: {  	s3 =	sld [smem:$0x3FDB];
	s0 =	simm.s32 @p2 $0x1  }
0x17: {  	s4 =	simm.s32 $0x1BF5;
	[smem:$0x3FBB] =	sst s0  }
0x18: {  	s0 =	sld [smem:$0x3F9E];
	_ =	swait.ge [sflag:s4], $0x0  }
0x19: {  	s7 =	sld [smem:$0x3F9F]  }
0x1a: {  	s8 =	sadd.s32 $0xFFFFE003, lr  }
0x1b: {  	s9 =	sadd.s32 $0xFFFFFEF7, lr;
	s5 =	simm.s32 $0xFFFFFFFF;
	p2 =	slt.u32 s8, $0xFFFFF086  }
0x1c: {  	p1 =	slt.u32 s9, $0xF7A;
	s5 =	simm.s32 @!p2 $0x0  }
0x1d: {  	s5 =	simm.s32 @p1 $0x1;
	p0 =	seq.s32 s7, s2  }
0x1e: {  	s7 =	smul.u32 @!p0 $0xF7A, s2;
	p2 =	seq.s32 @!p0 s5, $0x0  }
0x1f: {  	s9 =	smul.u32 $0xF7A, s1;
	s8 =	simm.s32 @!p0 $0x1BF5;
	p2 =	por !p2, p0  }
0x20: {  	[sflag:s8] =	ssyncset.s32 @!p0 $0xFFFFF086;
	s6 =	sadd.s32 @!p0 s3, s7;
	s7 =	simm.s32 @!p0 $0x108  }
0x21: {  	s3 =	sadd.s32 s3, s9;
	s6 =	sadd.s32 @!p0 $0x88, s6;
	s7 =	simm.s32 @p2 $0x1082  }
0x22: {  	[simem:s7], [sflag:s8] =	dma.local @!p0 [hbm:s6], $0xF7A  }
0x23: {  	s9 =	sor.u32 $0xD0000000, s2;
	s6 =	simm.s32 $0x108;
	_ =	swait.ge @!p0 [sflag:s8], $0x0  }
0x24: {  	s3 =	sadd.s32 $0x88, s3;
	s6 =	simm.s32 @!p1 $0x1082;
	[sflag:s4] =	ssyncset.s32 $0xFFFFF086  }
0x25: {  	[simem:s6], [sflag:s4] =	dma.local [hbm:s3], $0xF7A  }
0x26: {  	[smem:$0x3F9F] =	sst s1;
	(tag) =	ssettag s2;
	_ =	strace s9  }
0x27: {  	s1 =	sld [smem:$0x3FAF]  }
0x28: {  	s2 =	sld [smem:$0x3FB0]  }
0x29: {  	s4 =	sld [smem:$0x3FB2]  }
0x2a: {  	p0 =	seq.s32 s5, $0x0;
	s5 =	sld [smem:$0x3FB3]  }
0x2b: {  	s6 =	sld [smem:$0x3FB4]  }
0x2c: {  	s7 =	sld [smem:$0x3FB5]  }
0x2d: {  	s3 =	simm.s32 $0x108;
	s8 =	sld [smem:$0x3FB6]  }
0x2e: {  	s3 =	simm.s32 @!p0 $0x1082;
	s9 =	sld [smem:$0x3FB7]  }
0x2f: {  	lr =	sadd.s32 s0, s3;
	s0 =	sld [smem:$0x3FAE]  }
0x30: {  	s3 =	sld [smem:$0x3FB1]  }
0x31: {  	[smem:$0x3FBA] =	sst s10  }
0x32: {  	s10 =	sld [smem:$0x3FB8];
	_ =	sdelay $0x3  }
0x33: {  	p0 =	seq.s32 s10, $0x1;
	s10 =	sld [smem:$0x3FBA];
	_ =	sdelay $0x3  }
0x34: {  	[smem:$0x3FBA] =	sst s10  }
0x35: {  	s10 =	sld [smem:$0x3FB9];
	_ =	sdelay $0x3  }
0x36: {  	p1 =	seq.s32 s10, $0x1;
	s10 =	sld [smem:$0x3FBA];
	_ =	sdelay $0x3  }
0x37: {  	[smem:$0x3FBA] =	sst s10  }
0x38: {  	s10 =	sld [smem:$0x3FBB]  }
0x39: {  	_ = 	snop;
	(pc) =	sbr.ind lr, $3  }
0x3a: {  	_ = 	snop  }
0x3b: {  	_ = 	snop  }
0x3c: {  	p2 =	seq.s32 s10, $0x1;
	s10 =	sld [smem:$0x3FBA]  }
0x3d: {  	_ =	shalt  }
0x3e: {  	_ =	shalt  }
0x3f: {  	_ =	shalt  }
0x40: {  	_ =	shalt  }
0x41: {  	_ =	shalt  }
0x42: {  	_ =	shalt  }
0x43: {  	_ =	shalt  }
0x44: {  	_ =	shalt  }
0x45: {  	_ =	shalt  }
0x46: {  	_ =	shalt  }
0x47: {  	_ =	shalt  }
0x48: {  	_ =	shalt  }
0x49: {  	_ =	shalt  }
0x4a: {  	_ =	shalt  }
0x4b: {  	_ =	shalt  }
0x4c: {  	_ =	shalt  }
0x4d: {  	_ =	shalt  }
0x4e: {  	_ =	shalt  }
0x4f: {  	_ =	shalt  }
0x50: {  	_ =	shalt  }
0x51: {  	_ =	shalt  }
0x52: {  	_ =	shalt  }
0x53: {  	_ =	shalt  }
0x54: {  	_ =	shalt  }
0x55: {  	_ =	shalt  }
0x56: {  	_ =	shalt  }
0x57: {  	_ =	shalt  }
0x58: {  	_ =	shalt  }
0x59: {  	_ =	shalt  }
0x5a: {  	_ =	shalt  }
0x5b: {  	_ =	shalt  }
0x5c: {  	_ =	shalt  }
0x5d: {  	_ =	shalt  }
0x5e: {  	_ =	shalt  }
0x5f: {  	_ =	shalt  }
0x60: {  	_ =	shalt  }
0x61: {  	_ =	shalt  }
0x62: {  	_ =	shalt  }
0x63: {  	_ =	shalt  }
0x64: {  	_ =	shalt  }
0x65: {  	_ =	shalt  }
0x66: {  	_ =	shalt  }
0x67: {  	_ =	shalt  }
0x68: {  	_ =	shalt  }
0x69: {  	_ =	shalt  }
0x6a: {  	_ =	shalt  }
0x6b: {  	_ =	shalt  }
0x6c: {  	_ =	shalt  }
0x6d: {  	_ =	shalt  }
0x6e: {  	_ =	shalt  }
0x6f: {  	_ =	shalt  }
0x70: {  	_ =	shalt  }
0x71: {  	_ =	shalt  }
0x72: {  	_ =	shalt  }
0x73: {  	_ =	shalt  }
0x74: {  	_ =	shalt  }
0x75: {  	_ =	shalt  }
0x76: {  	_ =	shalt  }
0x77: {  	_ =	shalt  }
0x78: {  	_ =	shalt  }
0x79: {  	_ =	shalt  }
0x7a: {  	_ =	shalt  }
0x7b: {  	_ =	shalt  }
0x7c: {  	_ =	shalt  }
0x7d: {  	_ =	shalt  }
0x7e: {  	_ =	shalt  }
0x7f: {  	_ =	shalt  }
0x80: {  	_ =	shalt  }
0x81: {  	_ =	shalt  }
0x82: {  	_ =	shalt  }
0x83: {  	_ =	shalt  }
0x84: {  	_ =	shalt  }
0x85: {  	_ =	shalt  }
0x86: {  	_ =	shalt  }
0x87: {  	_ =	shalt  }
.Lfunc_end0:
.L_simem_size_0:
called_computation_lowered:
.L_overlay_start_0:
0x88: {  	s2 =	sld [smem:$0x3FD9]  }
0x89: {  	s3 =	sld [smem:$0x3FFE];
	_ =	sdelay $0x1  }
0x8a: {  	s1 =	srdreg.scid  }
0x8b: {  	s0 =	sand.u32 $0x1, s1  }
0x8c: {  	s16 =	sshll.u32 s0, $0xA;
	s2 =	sadd.s32 s3, s2  }
0x8d: {  	s2 =	sadd.s32 s2, s16  }
0x8e: {  	[smem:$0x3FC6] =	sst s2  }
0x8f: {  	_ = 	snop  }
0x90: {  	(tm) =	ssettm $0x1  }
0x91: {  	s17 =	sld [smem:$0x3FFB];
	_ =	sdelay $0x3  }
0x92: {  	_ =	strace s17  }
0x93: {  	s2 =	sld [smem:$0x3FFC];
	_ =	sdelay $0x3  }
0x94: {  	_ =	strace s2  }
0x95: {  	s2 =	sld [smem:$0x3FFD];
	_ =	sdelay $0x3  }
0x96: {  	_ =	strace s2  }
0x97: {  	_ =	strace $0x8FFFFFFF  }
0x98: {  	s18 =	sld [smem:$0x3FDB];
	_ =	sdelay $0x1  }
0x99: {  	s19 =	simm.s32 $_scs_section_size  }
0x9a: {  	s4 =	simm.s32 $_size__tile_overlayer_lowered;
	s5 =	simm.s32 $_tile_overlayer_lowered  }
0x9b: {  	s22 =	simm.s32 $0x1BFF;
	s21 =	sshll.u32 s5, $0x1;
	s2 =	sadd.s32 s19, s18  }
0x9c: {  	s6 =	simm.s32 $0x0;
	s20 =	sshll.u32 s4, $0x1;
	s4 =	sadd.s32 s21, s2  }
0x9d: {  	[timem:s6], [sflag:s22] =	dma.local [hbm:s4], s20  }
0x9e: {  	_ =	swait.ge [sflag:s22], s20  }
0x9f: {  	s3 =	ssub.s32 $0x0, s20;
	[sflag:s22] =	ssyncset.done $0x0  }
0xa0: {  	[sflag:s22] =	ssyncadd.s32 s3;
	_ =	sdelay $0x1  }
0xa1: {  	s23 =	simm.s32 $0x1B8B  }
0xa2: {  	_ =	swait.ge [sflag:s23], $0x1  }
0xa3: {  	[sflag:s23] =	ssyncset.done $0x0  }
0xa4: {  	s25 =	simm.s32 $0x1B8E;
	s24 =	sld [smem:$0x3FFE];
	[sflag:s23] =	ssyncadd.s32 $0xFFFFFFFF  }
0xa5: {  	s26 =	simm.s32 $execute0_lowered;
	[smem:$0x3FD2] =	sst s25  }
0xa6: {  	s4 =	sshll.u32 s26, $0x1;
	_ =	strace $0x80000046;
	[dreg:$0x1] =	wrdreg $0xFFFFFFFF  }
0xa7: {  	s28 =	simm.s32 $_size_execute0_lowered;
	s2 =	sadd.s32 s2, s4;
	[dreg:$0x0] =	wrdreg $0x0  }
0xa8: {  	s4 =	sshll.u32 s28, $0x1;
	[dreg:$0x2] =	wrdreg s2  }
0xa9: {  	[dreg:$0x3] =	wrdreg s4  }
0xaa: {  	[dreg:$0x4] =	wrdreg $0xC0  }
0xab: {  	_ =	task [dreg:s6], $0x5FFFF  }
0xac: {  	[dreg:$0x1] =	wrdreg $0xFFFFFFFF  }
0xad: {  	[dreg:$0x0] =	wrdreg $0x60  }
0xae: {  	[dreg:$0x2] =	wrdreg s24  }
0xaf: {  	[dreg:$0x3] =	wrdreg $0x9  }
0xb0: {  	_ =	task.clear_ibuf [dreg:s6], $0x4FFFF;
	_ =	strace $0x90000046  }
0xb1: {  	s29 =	simm.s32 $0x9;
	_ =	strace $0x80000048  }
0xb2: {  	_ =	swait.ge [sflag:s29], $0x1  }
0xb3: {  	[sflag:s29] =	ssyncadd.s32 $0xFFFFFFFF  }
0xb4: {  	_ =	strace $0x90000048  }
0xb5: {  	_ =	sfence  }
0xb6: {  	s30 =	sld [smem:$0x0];
	_ =	sdelay $0x2  }
0xb7: {  	s31 =	sshll.u32 s1, $0xD;
	s1 =	sshrl.u32 s1, $0x2  }
0xb8: {  	s3 =	sand.u32 $0x4000, s31;
	s1 =	sadd.s32 s1, s30  }
0xb9: {  	s0 =	sor.u32 s3, s0;
	s1 =	sshll.u32 s1, $0x11  }
0xba: {  	s0 =	sor.u32 s1, s0  }
0xbb: {  	s0 =	sadd.s32 $0x8F2B, s0  }
0xbc: {  	[sflag:s0] =	ssyncadd.remote.s32 $0x1  }
0xbd: {  	_ =	sfence.sel $0xFFFF  }
0xbe: {  	[dreg:$0x0] =	wrdreg $0xFFFFFFFF;
	(pc) =	sbr.abs _section_cstart, $3  }
0xbf: {  	[dreg:$0x1] =	wrdreg $0xFFFFFFFF  }
0xc0: {  	_ =	task.clear_ibuf [dreg:s6], $0x2FFFF;
	_ =	strace $0x9FFFFFFF  }
0xc1: {  	(tm) =	ssettm $0x7FFFFFFF  }
tec
execute0_lowered:
.L_overlay_start_1:
0x0: {  	(tag) =	ssettag $0x1  }
0x1: {  	v0 =	vlaneseq.u32  }
0x2: {  	v1 =	vand.u32 $0x7, v0  }
0x3: {  	s3 =	rddreg [dreg:$0x0];
	v4 =	vmul.u32 $0x10, v1  }
0x4: {  	s0 =	rddreg [dreg:$0x1];
	s1 =	simm.s32 $0x0;
	v1 =	vmul.u32 $0x10, v0  }
0x5: {  	s2 =	srdreg.scid;
	v2 =	vimm.f32 $0.0e+00;
	v3 =	vimm.f32 $1.000000000e+00;
	s8 =	simm.s32 $0x18700;
	s9 =	simm.s32 $0x1C700;
	v4 =	vor.u32 $0xFFFFFF80, v4  }
0x6: {  	s10 =	simm.s32 $0x0;
	[smem:$0x7FF] =	sst s1;
	s5 =	sand.u32 $0x1, s2;
	v5 =	vor.u32 $0x1, v1;
	v6 =	vor.u32 $0x2, v1;
	v7 =	vor.u32 $0x3, v1  }
0x7: {  	s2 =	sadd.s32 $0xC38600, s3;
	s4 =	sadd.s32 $0x186D600, s3;
	s6 =	ssub.s32 $0x2, s5;
	v8 =	vor.u32 $0x4, v1;
	v9 =	vor.u32 $0x5, v1;
	v10 =	vor.u32 $0x6, v1  }
0x8: {  	s3 =	stileid.u32;
	_ =	strace $0x80000047;
	s7 =	sshrl.u32 s6, $0x1;
	v11 =	vor.u32 $0x7, v1;
	v12 =	vor.u32 $0x8, v1;
	v13 =	vor.u32 $0x9, v1  }
0x9: {  	s31 =	sshll.u32 s3, $0x6;
	s5 =	sshll.u32 s5, $0x5;
	s6 =	ssub.s32 s6, s7;
	v14 =	vor.u32 $0xA, v1;
	v15 =	vor.u32 $0xB, v1;
	v16 =	vor.u32 $0xC, v1  }
0xa: {  	s5 =	sor.u32 s5, s31;
	s7 =	simm.s32 $0x1;
	v17 =	vor.u32 $0xD, v1;
	v18 =	vor.u32 $0xE, v1;
	v19 =	vor.u32 $0xF, v1;
	s6 =	smax.u32 s6, $0x1  }
.LBB2_1:
0xb: {  	s11 =	simm.s32 $0x0  }
.LBB2_2:
0xc: {  	s12 =	simm.s32 $0x40;
	s13 =	simm.s32 $0x0  }
.LBB2_3:
0xd: {  	p0 =	sne.s32 s12, $0xFFC0;
	[tilespmem:s13+$0x18700] =	vst v2;
	s13 =	smov.u32 s12;
	s12 =	sadd.s32 $0x40, s12  }
.Ltmp0:
0xe: {  	(pc) =	sbr.rel @p0 .LBB2_3-.Ltmp0, $2  }
0xf: {  	_ =	sdelay $0x2  }
0x10: {  	s13 =	sshra.s32 s13, $0x2  }
0x11: {  	s12 =	sadd.s32 s5, s11  }
0x12: {  	s14 =	smul.u32 $0x30D4, s12;
	_ =	sdelay $0x1  }
0x13: {  	[tilespmem:s13+$0x18700] =	vst v2;
	s13 =	simm.s32 $0x0;
	s14 =	sadd.s32 s2, s14  }
0x14: {  	[tilespmem:s13], [sflag:$0x1] =	stream.linear.gather [hbm4b:s14+s13], $0x186A0, $0x38;
	[tilespmem:$0x1CB00] =	vst v63  }
0x15: {  	_ =	swait.ge [sflag:s7], $0x186A0  }
0x16: {  	[sflag:s7] =	ssyncset.done $0x0  }
0x17: {  	s15 =	simm.s32 $0x0;
	s14 =	simm.s32 $0xC0;
	[sflag:s7] =	ssyncadd.s32 $0xFFFE7960  }
.LBB2_5:
0x18: {  	v20 =	vld [tilespmem:s14+$0xFFFFFF40];
	_ =	sdelay $0x4  }
0x19: {  	v20 =	vmax.f32 v20, $-2.500000000e+01  }
0x1a: {  	v20 =	vmin.f32 v20, $2.500000000e+01  }
0x1b: {  	v20 =	vadd.f32 $2.500000000e+01, v20;
	_ =	sdelay $0x1  }
0x1c: {  	v20 =	vmul.f32 $2.047999950e+01, v20;
	_ =	sdelay $0x1  }
0x1d: {  	v20 =	vtrunc.f32 v20  }
0x1e: {  	v20 =	vcvt.f32.s32 v20;
	_ =	sdelay $0x1  }
0x1f: {  	vm0 =	vlt.s32 v20, $0x3FF  }
0x20: {  	v20 =	vnsel vm0, $0x3FF, v20  }
0x21: {  	v20 =	vshll.u32 v20, $0x4  }
0x22: {  	v20 =	vor.u32 v0, v20;
	_ =	sdelay $0x4  }
0x23: {  	[tilespmem:v20+s8+$0x0] =	vst.idx.add.f32.msk $0xffff, v3  }
0x24: {  	v20 =	vld [tilespmem:s14+$0xFFFFFF50];
	_ =	sdelay $0x4  }
0x25: {  	v20 =	vmax.f32 v20, $-2.500000000e+01  }
0x26: {  	v20 =	vmin.f32 v20, $2.500000000e+01  }
0x27: {  	v20 =	vadd.f32 $2.500000000e+01, v20;
	_ =	sdelay $0x1  }
0x28: {  	v20 =	vmul.f32 $2.047999950e+01, v20;
	_ =	sdelay $0x1  }
0x29: {  	v20 =	vtrunc.f32 v20  }
0x2a: {  	v20 =	vcvt.f32.s32 v20;
	_ =	sdelay $0x1  }
0x2b: {  	vm4 =	vlt.s32 v20, $0x3FF  }
0x2c: {  	v20 =	vnsel vm4, $0x3FF, v20  }
0x2d: {  	v20 =	vshll.u32 v20, $0x4  }
0x2e: {  	v20 =	vor.u32 v0, v20;
	_ =	sdelay $0x4  }
0x2f: {  	[tilespmem:v20+s8+$0x0] =	vst.idx.add.f32.msk $0xffff, v3  }
0x30: {  	v20 =	vld [tilespmem:s14+$0xFFFFFF60];
	_ =	sdelay $0x4  }
0x31: {  	v20 =	vmax.f32 v20, $-2.500000000e+01  }
0x32: {  	v20 =	vmin.f32 v20, $2.500000000e+01  }
0x33: {  	v20 =	vadd.f32 $2.500000000e+01, v20;
	_ =	sdelay $0x1  }
0x34: {  	v20 =	vmul.f32 $2.047999950e+01, v20;
	_ =	sdelay $0x1  }
0x35: {  	v20 =	vtrunc.f32 v20  }
0x36: {  	v20 =	vcvt.f32.s32 v20;
	_ =	sdelay $0x1  }
0x37: {  	vm5 =	vlt.s32 v20, $0x3FF  }
0x38: {  	v20 =	vnsel vm5, $0x3FF, v20  }
0x39: {  	v20 =	vshll.u32 v20, $0x4  }
0x3a: {  	v20 =	vor.u32 v0, v20;
	_ =	sdelay $0x4  }
0x3b: {  	[tilespmem:v20+s8+$0x0] =	vst.idx.add.f32.msk $0xffff, v3  }
0x3c: {  	v20 =	vld [tilespmem:s14+$0xFFFFFF70];
	_ =	sdelay $0x4  }
0x3d: {  	v20 =	vmax.f32 v20, $-2.500000000e+01  }
0x3e: {  	v20 =	vmin.f32 v20, $2.500000000e+01  }
0x3f: {  	v20 =	vadd.f32 $2.500000000e+01, v20;
	_ =	sdelay $0x1  }
0x40: {  	v20 =	vmul.f32 $2.047999950e+01, v20;
	_ =	sdelay $0x1  }
0x41: {  	v20 =	vtrunc.f32 v20  }
0x42: {  	v20 =	vcvt.f32.s32 v20;
	_ =	sdelay $0x1  }
0x43: {  	vm6 =	vlt.s32 v20, $0x3FF  }
0x44: {  	v20 =	vnsel vm6, $0x3FF, v20  }
0x45: {  	v20 =	vshll.u32 v20, $0x4  }
0x46: {  	v20 =	vor.u32 v0, v20;
	_ =	sdelay $0x4  }
0x47: {  	[tilespmem:v20+s8+$0x0] =	vst.idx.add.f32.msk $0xffff, v3  }
0x48: {  	v20 =	vld [tilespmem:s14+$0xFFFFFF80];
	_ =	sdelay $0x4  }
0x49: {  	v20 =	vmax.f32 v20, $-2.500000000e+01  }
0x4a: {  	v20 =	vmin.f32 v20, $2.500000000e+01  }
0x4b: {  	v20 =	vadd.f32 $2.500000000e+01, v20;
	_ =	sdelay $0x1  }
0x4c: {  	v20 =	vmul.f32 $2.047999950e+01, v20;
	_ =	sdelay $0x1  }
0x4d: {  	v20 =	vtrunc.f32 v20  }
0x4e: {  	v20 =	vcvt.f32.s32 v20;
	_ =	sdelay $0x1  }
0x4f: {  	vm7 =	vlt.s32 v20, $0x3FF  }
0x50: {  	v20 =	vnsel vm7, $0x3FF, v20  }
0x51: {  	v20 =	vshll.u32 v20, $0x4  }
0x52: {  	v20 =	vor.u32 v0, v20;
	_ =	sdelay $0x4  }
0x53: {  	[tilespmem:v20+s8+$0x0] =	vst.idx.add.f32.msk $0xffff, v3  }
0x54: {  	v20 =	vld [tilespmem:s14+$0xFFFFFF90];
	_ =	sdelay $0x4  }
0x55: {  	v20 =	vmax.f32 v20, $-2.500000000e+01  }
0x56: {  	v20 =	vmin.f32 v20, $2.500000000e+01  }
0x57: {  	v20 =	vadd.f32 $2.500000000e+01, v20;
	_ =	sdelay $0x1  }
0x58: {  	v20 =	vmul.f32 $2.047999950e+01, v20;
	_ =	sdelay $0x1  }
0x59: {  	v20 =	vtrunc.f32 v20  }
0x5a: {  	v20 =	vcvt.f32.s32 v20;
	_ =	sdelay $0x1  }
0x5b: {  	vm8 =	vlt.s32 v20, $0x3FF  }
0x5c: {  	v20 =	vnsel vm8, $0x3FF, v20  }
0x5d: {  	v20 =	vshll.u32 v20, $0x4  }
0x5e: {  	v20 =	vor.u32 v0, v20;
	_ =	sdelay $0x4  }
0x5f: {  	[tilespmem:v20+s8+$0x0] =	vst.idx.add.f32.msk $0xffff, v3  }
0x60: {  	v20 =	vld [tilespmem:s14+$0xFFFFFFA0];
	_ =	sdelay $0x4  }
0x61: {  	v20 =	vmax.f32 v20, $-2.500000000e+01  }
0x62: {  	v20 =	vmin.f32 v20, $2.500000000e+01  }
0x63: {  	v20 =	vadd.f32 $2.500000000e+01, v20;
	_ =	sdelay $0x1  }
0x64: {  	v20 =	vmul.f32 $2.047999950e+01, v20;
	_ =	sdelay $0x1  }
0x65: {  	v20 =	vtrunc.f32 v20  }
0x66: {  	v20 =	vcvt.f32.s32 v20;
	_ =	sdelay $0x1  }
0x67: {  	vm9 =	vlt.s32 v20, $0x3FF  }
0x68: {  	v20 =	vnsel vm9, $0x3FF, v20  }
0x69: {  	v20 =	vshll.u32 v20, $0x4  }
0x6a: {  	v20 =	vor.u32 v0, v20;
	_ =	sdelay $0x4  }
0x6b: {  	[tilespmem:v20+s8+$0x0] =	vst.idx.add.f32.msk $0xffff, v3  }
0x6c: {  	v20 =	vld [tilespmem:s14+$0xFFFFFFB0];
	_ =	sdelay $0x4  }
0x6d: {  	v20 =	vmax.f32 v20, $-2.500000000e+01  }
0x6e: {  	v20 =	vmin.f32 v20, $2.500000000e+01  }
0x6f: {  	v20 =	vadd.f32 $2.500000000e+01, v20;
	_ =	sdelay $0x1  }
0x70: {  	v20 =	vmul.f32 $2.047999950e+01, v20;
	_ =	sdelay $0x1  }
0x71: {  	v20 =	vtrunc.f32 v20  }
0x72: {  	v20 =	vcvt.f32.s32 v20;
	_ =	sdelay $0x1  }
0x73: {  	vm10 =	vlt.s32 v20, $0x3FF  }
0x74: {  	v20 =	vnsel vm10, $0x3FF, v20  }
0x75: {  	v20 =	vshll.u32 v20, $0x4  }
0x76: {  	v20 =	vor.u32 v0, v20;
	_ =	sdelay $0x4  }
0x77: {  	s16 =	sand.u32 $0x1FFF0, s15;
	[tilespmem:v20+s8+$0x0] =	vst.idx.add.f32.msk $0xffff, v3  }
0x78: {  	v20 =	vld [tilespmem:s16+$0x80];
	_ =	sdelay $0x4  }
0x79: {  	v20 =	vmax.f32 v20, $-2.500000000e+01  }
0x7a: {  	v20 =	vmin.f32 v20, $2.500000000e+01  }
0x7b: {  	v20 =	vadd.f32 $2.500000000e+01, v20;
	_ =	sdelay $0x1  }
0x7c: {  	v20 =	vmul.f32 $2.047999950e+01, v20;
	_ =	sdelay $0x1  }
0x7d: {  	v20 =	vtrunc.f32 v20  }
0x7e: {  	v20 =	vcvt.f32.s32 v20;
	_ =	sdelay $0x1  }
0x7f: {  	vm11 =	vlt.s32 v20, $0x3FF  }
0x80: {  	v20 =	vnsel vm11, $0x3FF, v20  }
0x81: {  	v20 =	vshll.u32 v20, $0x4  }
0x82: {  	v20 =	vor.u32 v0, v20;
	_ =	sdelay $0x4  }
0x83: {  	[tilespmem:v20+s8+$0x0] =	vst.idx.add.f32.msk $0xffff, v3  }
0x84: {  	v20 =	vld [tilespmem:s14+$0xFFFFFFD0];
	_ =	sdelay $0x4  }
0x85: {  	v20 =	vmax.f32 v20, $-2.500000000e+01  }
0x86: {  	v20 =	vmin.f32 v20, $2.500000000e+01  }
0x87: {  	v20 =	vadd.f32 $2.500000000e+01, v20;
	_ =	sdelay $0x1  }
0x88: {  	v20 =	vmul.f32 $2.047999950e+01, v20;
	_ =	sdelay $0x1  }
0x89: {  	v20 =	vtrunc.f32 v20  }
0x8a: {  	v20 =	vcvt.f32.s32 v20;
	_ =	sdelay $0x1  }
0x8b: {  	vm12 =	vlt.s32 v20, $0x3FF  }
0x8c: {  	v20 =	vnsel vm12, $0x3FF, v20  }
0x8d: {  	v20 =	vshll.u32 v20, $0x4  }
0x8e: {  	v20 =	vor.u32 v0, v20;
	_ =	sdelay $0x4  }
0x8f: {  	[tilespmem:v20+s8+$0x0] =	vst.idx.add.f32.msk $0xffff, v3  }
0x90: {  	v20 =	vld [tilespmem:s14+$0xFFFFFFE0];
	_ =	sdelay $0x4  }
0x91: {  	v20 =	vmax.f32 v20, $-2.500000000e+01  }
0x92: {  	v20 =	vmin.f32 v20, $2.500000000e+01  }
0x93: {  	v20 =	vadd.f32 $2.500000000e+01, v20;
	_ =	sdelay $0x1  }
0x94: {  	v20 =	vmul.f32 $2.047999950e+01, v20;
	_ =	sdelay $0x1  }
0x95: {  	v20 =	vtrunc.f32 v20  }
0x96: {  	v20 =	vcvt.f32.s32 v20;
	_ =	sdelay $0x1  }
0x97: {  	vm13 =	vlt.s32 v20, $0x3FF  }
0x98: {  	v20 =	vnsel vm13, $0x3FF, v20  }
0x99: {  	v20 =	vshll.u32 v20, $0x4  }
0x9a: {  	v20 =	vor.u32 v0, v20;
	_ =	sdelay $0x4  }
0x9b: {  	[tilespmem:v20+s8+$0x0] =	vst.idx.add.f32.msk $0xffff, v3  }
0x9c: {  	v20 =	vld [tilespmem:s14+$0xFFFFFFF0];
	_ =	sdelay $0x4  }
0x9d: {  	v20 =	vmax.f32 v20, $-2.500000000e+01  }
0x9e: {  	v20 =	vmin.f32 v20, $2.500000000e+01  }
0x9f: {  	v20 =	vadd.f32 $2.500000000e+01, v20;
	_ =	sdelay $0x1  }
0xa0: {  	v20 =	vmul.f32 $2.047999950e+01, v20;
	_ =	sdelay $0x1  }
0xa1: {  	v20 =	vtrunc.f32 v20  }
0xa2: {  	v20 =	vcvt.f32.s32 v20;
	_ =	sdelay $0x1  }
0xa3: {  	vm14 =	vlt.s32 v20, $0x3FF  }
0xa4: {  	v20 =	vnsel vm14, $0x3FF, v20  }
0xa5: {  	v20 =	vshll.u32 v20, $0x4  }
0xa6: {  	v20 =	vor.u32 v0, v20;
	_ =	sdelay $0x4  }
0xa7: {  	[tilespmem:v20+s8+$0x0] =	vst.idx.add.f32.msk $0xffff, v3  }
0xa8: {  	v20 =	vld [tilespmem:s14+$0x0];
	_ =	sdelay $0x4  }
0xa9: {  	v20 =	vmax.f32 v20, $-2.500000000e+01  }
0xaa: {  	v20 =	vmin.f32 v20, $2.500000000e+01  }
0xab: {  	v20 =	vadd.f32 $2.500000000e+01, v20;
	_ =	sdelay $0x1  }
0xac: {  	v20 =	vmul.f32 $2.047999950e+01, v20;
	_ =	sdelay $0x1  }
0xad: {  	v20 =	vtrunc.f32 v20  }
0xae: {  	v20 =	vcvt.f32.s32 v20;
	_ =	sdelay $0x1  }
0xaf: {  	vm15 =	vlt.s32 v20, $0x3FF  }
0xb0: {  	v20 =	vnsel vm15, $0x3FF, v20  }
0xb1: {  	v20 =	vshll.u32 v20, $0x4  }
0xb2: {  	v20 =	vor.u32 v0, v20;
	_ =	sdelay $0x4  }
0xb3: {  	[tilespmem:v20+s8+$0x0] =	vst.idx.add.f32.msk $0xffff, v3  }
0xb4: {  	v20 =	vld [tilespmem:s14+$0x10];
	_ =	sdelay $0x4  }
0xb5: {  	v20 =	vmax.f32 v20, $-2.500000000e+01  }
0xb6: {  	v20 =	vmin.f32 v20, $2.500000000e+01  }
0xb7: {  	v20 =	vadd.f32 $2.500000000e+01, v20;
	_ =	sdelay $0x1  }
0xb8: {  	v20 =	vmul.f32 $2.047999950e+01, v20;
	_ =	sdelay $0x1  }
0xb9: {  	v20 =	vtrunc.f32 v20  }
0xba: {  	v20 =	vcvt.f32.s32 v20;
	_ =	sdelay $0x1  }
0xbb: {  	vm4 =	vlt.s32 v20, $0x3FF  }
0xbc: {  	v20 =	vnsel vm4, $0x3FF, v20  }
0xbd: {  	v20 =	vshll.u32 v20, $0x4  }
0xbe: {  	v20 =	vor.u32 v0, v20;
	_ =	sdelay $0x4  }
0xbf: {  	[tilespmem:v20+s8+$0x0] =	vst.idx.add.f32.msk $0xffff, v3  }
0xc0: {  	v20 =	vld [tilespmem:s14+$0x20];
	_ =	sdelay $0x4  }
0xc1: {  	v20 =	vmax.f32 v20, $-2.500000000e+01  }
0xc2: {  	v20 =	vmin.f32 v20, $2.500000000e+01  }
0xc3: {  	v20 =	vadd.f32 $2.500000000e+01, v20;
	_ =	sdelay $0x1  }
0xc4: {  	v20 =	vmul.f32 $2.047999950e+01, v20;
	_ =	sdelay $0x1  }
0xc5: {  	v20 =	vtrunc.f32 v20  }
0xc6: {  	v20 =	vcvt.f32.s32 v20;
	_ =	sdelay $0x1  }
0xc7: {  	vm5 =	vlt.s32 v20, $0x3FF  }
0xc8: {  	v20 =	vnsel vm5, $0x3FF, v20  }
0xc9: {  	v20 =	vshll.u32 v20, $0x4  }
0xca: {  	v20 =	vor.u32 v0, v20;
	_ =	sdelay $0x4  }
0xcb: {  	[tilespmem:v20+s8+$0x0] =	vst.idx.add.f32.msk $0xffff, v3  }
0xcc: {  	v20 =	vld [tilespmem:s14+$0x30];
	_ =	sdelay $0x4  }
0xcd: {  	v20 =	vmax.f32 v20, $-2.500000000e+01  }
0xce: {  	v20 =	vmin.f32 v20, $2.500000000e+01  }
0xcf: {  	v20 =	vadd.f32 $2.500000000e+01, v20;
	_ =	sdelay $0x1  }
0xd0: {  	v20 =	vmul.f32 $2.047999950e+01, v20;
	_ =	sdelay $0x1  }
0xd1: {  	v20 =	vtrunc.f32 v20  }
0xd2: {  	v20 =	vcvt.f32.s32 v20;
	_ =	sdelay $0x1  }
0xd3: {  	vm6 =	vlt.s32 v20, $0x3FF  }
0xd4: {  	v20 =	vnsel vm6, $0x3FF, v20  }
0xd5: {  	v20 =	vshll.u32 v20, $0x4  }
0xd6: {  	v20 =	vor.u32 v0, v20;
	_ =	sdelay $0x4  }
0xd7: {  	[tilespmem:v20+s8+$0x0] =	vst.idx.add.f32.msk $0xffff, v3  }
0xd8: {  	v20 =	vld [tilespmem:s16+$0x100];
	_ =	sdelay $0x4  }
0xd9: {  	v20 =	vmax.f32 v20, $-2.500000000e+01  }
0xda: {  	v20 =	vmin.f32 v20, $2.500000000e+01  }
0xdb: {  	v20 =	vadd.f32 $2.500000000e+01, v20;
	_ =	sdelay $0x1  }
0xdc: {  	v20 =	vmul.f32 $2.047999950e+01, v20;
	_ =	sdelay $0x1  }
0xdd: {  	v20 =	vtrunc.f32 v20  }
0xde: {  	v20 =	vcvt.f32.s32 v20;
	_ =	sdelay $0x1  }
0xdf: {  	vm7 =	vlt.s32 v20, $0x3FF  }
0xe0: {  	v20 =	vnsel vm7, $0x3FF, v20  }
0xe1: {  	v20 =	vshll.u32 v20, $0x4  }
0xe2: {  	v20 =	vor.u32 v0, v20;
	_ =	sdelay $0x4  }
0xe3: {  	[tilespmem:v20+s8+$0x0] =	vst.idx.add.f32.msk $0xffff, v3  }
0xe4: {  	v20 =	vld [tilespmem:s14+$0x50];
	_ =	sdelay $0x4  }
0xe5: {  	v20 =	vmax.f32 v20, $-2.500000000e+01  }
0xe6: {  	v20 =	vmin.f32 v20, $2.500000000e+01  }
0xe7: {  	v20 =	vadd.f32 $2.500000000e+01, v20;
	_ =	sdelay $0x1  }
0xe8: {  	v20 =	vmul.f32 $2.047999950e+01, v20;
	_ =	sdelay $0x1  }
0xe9: {  	v20 =	vtrunc.f32 v20  }
0xea: {  	v20 =	vcvt.f32.s32 v20;
	_ =	sdelay $0x1  }
0xeb: {  	vm8 =	vlt.s32 v20, $0x3FF  }
0xec: {  	v20 =	vnsel vm8, $0x3FF, v20  }
0xed: {  	v20 =	vshll.u32 v20, $0x4  }
0xee: {  	v20 =	vor.u32 v0, v20;
	_ =	sdelay $0x4  }
0xef: {  	[tilespmem:v20+s8+$0x0] =	vst.idx.add.f32.msk $0xffff, v3  }
0xf0: {  	v20 =	vld [tilespmem:s14+$0x60];
	_ =	sdelay $0x4  }
0xf1: {  	v20 =	vmax.f32 v20, $-2.500000000e+01  }
0xf2: {  	v20 =	vmin.f32 v20, $2.500000000e+01  }
0xf3: {  	v20 =	vadd.f32 $2.500000000e+01, v20;
	_ =	sdelay $0x1  }
0xf4: {  	v20 =	vmul.f32 $2.047999950e+01, v20;
	_ =	sdelay $0x1  }
0xf5: {  	v20 =	vtrunc.f32 v20  }
0xf6: {  	v20 =	vcvt.f32.s32 v20;
	_ =	sdelay $0x1  }
0xf7: {  	vm9 =	vlt.s32 v20, $0x3FF  }
0xf8: {  	v20 =	vnsel vm9, $0x3FF, v20  }
0xf9: {  	v20 =	vshll.u32 v20, $0x4  }
0xfa: {  	v20 =	vor.u32 v0, v20;
	_ =	sdelay $0x4  }
0xfb: {  	[tilespmem:v20+s8+$0x0] =	vst.idx.add.f32.msk $0xffff, v3  }
0xfc: {  	v20 =	vld [tilespmem:s14+$0x70];
	_ =	sdelay $0x4  }
0xfd: {  	v20 =	vmax.f32 v20, $-2.500000000e+01  }
0xfe: {  	v20 =	vmin.f32 v20, $2.500000000e+01  }
0xff: {  	v20 =	vadd.f32 $2.500000000e+01, v20;
	_ =	sdelay $0x1  }
0x100: {  	v20 =	vmul.f32 $2.047999950e+01, v20;
	_ =	sdelay $0x1  }
0x101: {  	v20 =	vtrunc.f32 v20  }
0x102: {  	v20 =	vcvt.f32.s32 v20;
	_ =	sdelay $0x1  }
0x103: {  	vm10 =	vlt.s32 v20, $0x3FF  }
0x104: {  	v20 =	vnsel vm10, $0x3FF, v20  }
0x105: {  	v20 =	vshll.u32 v20, $0x4  }
0x106: {  	v20 =	vor.u32 v0, v20;
	_ =	sdelay $0x4  }
0x107: {  	[tilespmem:v20+s8+$0x0] =	vst.idx.add.f32.msk $0xffff, v3  }
0x108: {  	v20 =	vld [tilespmem:s14+$0x80];
	_ =	sdelay $0x4  }
0x109: {  	v20 =	vmax.f32 v20, $-2.500000000e+01  }
0x10a: {  	v20 =	vmin.f32 v20, $2.500000000e+01  }
0x10b: {  	v20 =	vadd.f32 $2.500000000e+01, v20;
	_ =	sdelay $0x1  }
0x10c: {  	v20 =	vmul.f32 $2.047999950e+01, v20;
	_ =	sdelay $0x1  }
0x10d: {  	v20 =	vtrunc.f32 v20  }
0x10e: {  	v20 =	vcvt.f32.s32 v20;
	_ =	sdelay $0x1  }
0x10f: {  	vm11 =	vlt.s32 v20, $0x3FF  }
0x110: {  	v20 =	vnsel vm11, $0x3FF, v20  }
0x111: {  	v20 =	vshll.u32 v20, $0x4  }
0x112: {  	v20 =	vor.u32 v0, v20;
	_ =	sdelay $0x4  }
0x113: {  	[tilespmem:v20+s8+$0x0] =	vst.idx.add.f32.msk $0xffff, v3  }
0x114: {  	v20 =	vld [tilespmem:s14+$0x90];
	_ =	sdelay $0x4  }
0x115: {  	v20 =	vmax.f32 v20, $-2.500000000e+01  }
0x116: {  	v20 =	vmin.f32 v20, $2.500000000e+01  }
0x117: {  	v20 =	vadd.f32 $2.500000000e+01, v20;
	_ =	sdelay $0x1  }
0x118: {  	v20 =	vmul.f32 $2.047999950e+01, v20;
	_ =	sdelay $0x1  }
0x119: {  	v20 =	vtrunc.f32 v20  }
0x11a: {  	v20 =	vcvt.f32.s32 v20;
	_ =	sdelay $0x1  }
0x11b: {  	vm12 =	vlt.s32 v20, $0x3FF  }
0x11c: {  	v20 =	vnsel vm12, $0x3FF, v20  }
0x11d: {  	v20 =	vshll.u32 v20, $0x4  }
0x11e: {  	v20 =	vor.u32 v0, v20;
	_ =	sdelay $0x4  }
0x11f: {  	[tilespmem:v20+s8+$0x0] =	vst.idx.add.f32.msk $0xffff, v3  }
0x120: {  	v20 =	vld [tilespmem:s14+$0xA0];
	_ =	sdelay $0x4  }
0x121: {  	v20 =	vmax.f32 v20, $-2.500000000e+01  }
0x122: {  	v20 =	vmin.f32 v20, $2.500000000e+01  }
0x123: {  	v20 =	vadd.f32 $2.500000000e+01, v20;
	_ =	sdelay $0x1  }
0x124: {  	v20 =	vmul.f32 $2.047999950e+01, v20;
	_ =	sdelay $0x1  }
0x125: {  	v20 =	vtrunc.f32 v20  }
0x126: {  	v20 =	vcvt.f32.s32 v20;
	_ =	sdelay $0x1  }
0x127: {  	vm13 =	vlt.s32 v20, $0x3FF  }
0x128: {  	v20 =	vnsel vm13, $0x3FF, v20  }
0x129: {  	v20 =	vshll.u32 v20, $0x4  }
0x12a: {  	v20 =	vor.u32 v0, v20;
	_ =	sdelay $0x4  }
0x12b: {  	[tilespmem:v20+s8+$0x0] =	vst.idx.add.f32.msk $0xffff, v3  }
0x12c: {  	v20 =	vld [tilespmem:s14+$0xB0];
	_ =	sdelay $0x4  }
0x12d: {  	v20 =	vmax.f32 v20, $-2.500000000e+01  }
0x12e: {  	v20 =	vmin.f32 v20, $2.500000000e+01  }
0x12f: {  	v20 =	vadd.f32 $2.500000000e+01, v20;
	_ =	sdelay $0x1  }
0x130: {  	v20 =	vmul.f32 $2.047999950e+01, v20;
	_ =	sdelay $0x1  }
0x131: {  	v20 =	vtrunc.f32 v20  }
0x132: {  	v20 =	vcvt.f32.s32 v20;
	_ =	sdelay $0x1  }
0x133: {  	vm14 =	vlt.s32 v20, $0x3FF  }
0x134: {  	v20 =	vnsel vm14, $0x3FF, v20  }
0x135: {  	v20 =	vshll.u32 v20, $0x4  }
0x136: {  	v20 =	vor.u32 v0, v20;
	_ =	sdelay $0x4  }
0x137: {  	[tilespmem:v20+s8+$0x0] =	vst.idx.add.f32.msk $0xffff, v3  }
0x138: {  	v20 =	vld [tilespmem:s16+$0x180];
	_ =	sdelay $0x4  }
0x139: {  	v20 =	vmax.f32 v20, $-2.500000000e+01  }
0x13a: {  	v20 =	vmin.f32 v20, $2.500000000e+01  }
0x13b: {  	v20 =	vadd.f32 $2.500000000e+01, v20;
	_ =	sdelay $0x1  }
0x13c: {  	v20 =	vmul.f32 $2.047999950e+01, v20;
	_ =	sdelay $0x1  }
0x13d: {  	v20 =	vtrunc.f32 v20  }
0x13e: {  	v20 =	vcvt.f32.s32 v20;
	_ =	sdelay $0x1  }
0x13f: {  	vm15 =	vlt.s32 v20, $0x3FF  }
0x140: {  	v20 =	vnsel vm15, $0x3FF, v20  }
0x141: {  	v20 =	vshll.u32 v20, $0x4  }
0x142: {  	p0 =	sne.s32 s15, $0x18510;
	v20 =	vor.u32 v0, v20  }
.Ltmp1:
0x143: {  	_ = 	snop;
	(pc) =	sbr.rel @p0 .LBB2_5-.Ltmp1, $2  }
0x144: {  	_ =	sdelay $0x2  }
0x145: {  	s15 =	sadd.s32 $0x190, s15;
	s14 =	sadd.s32 $0x190, s14;
	[tilespmem:v20+s8+$0x0] =	vst.idx.add.f32.msk $0xffff, v3  }
0x146: {  	v20 =	vor.u32 s13, v1;
	v21 =	vor.u32 s13, v5  }
0x147: {  	v20 =	vand.u32 v4, v20;
	_ =	sdelay $0x1  }
0x148: {  	v22 =	vor.u32 s13, v6;
	_ =	sdelay $0x1  }
0x149: {  	v23 =	vor.u32 s13, v7;
	v21 =	vld.idx.msk [tilespmem:v21+s8+$0x0], $0xffff  }
0x14a: {  	v20 =	vld.idx.msk [tilespmem:v20+s8+$0x0], $0xffff  }
0x14b: {  	v24 =	vor.u32 s13, v8  }
0x14c: {  	v22 =	vld.idx.msk [tilespmem:v22+s8+$0x0], $0xffff  }
0x14d: {  	v25 =	vor.u32 s13, v9  }
0x14e: {  	v23 =	vld.idx.msk [tilespmem:v23+s8+$0x0], $0xffff  }
0x14f: {  	v26 =	vor.u32 s13, v10;
	v20 =	vadd.f32 v21, v20  }
0x150: {  	v21 =	vld.idx.msk [tilespmem:v24+s8+$0x0], $0xffff  }
0x151: {  	v42 =	vor.u32 s13, v11;
	v20 =	vadd.f32 v22, v20  }
0x152: {  	v22 =	vld.idx.msk [tilespmem:v25+s8+$0x0], $0xffff  }
0x153: {  	v43 =	vor.u32 s13, v12;
	v20 =	vadd.f32 v23, v20  }
0x154: {  	v23 =	vld.idx.msk [tilespmem:v26+s8+$0x0], $0xffff  }
0x155: {  	v44 =	vor.u32 s13, v13;
	v20 =	vadd.f32 v21, v20  }
0x156: {  	v21 =	vld.idx.msk [tilespmem:v42+s8+$0x0], $0xffff  }
0x157: {  	v45 =	vor.u32 s13, v14;
	v20 =	vadd.f32 v22, v20  }
0x158: {  	v22 =	vld.idx.msk [tilespmem:v43+s8+$0x0], $0xffff  }
0x159: {  	v46 =	vor.u32 s13, v15;
	v20 =	vadd.f32 v23, v20  }
0x15a: {  	v23 =	vld.idx.msk [tilespmem:v44+s8+$0x0], $0xffff  }
0x15b: {  	v47 =	vor.u32 s13, v16;
	v20 =	vadd.f32 v21, v20  }
0x15c: {  	v21 =	vld.idx.msk [tilespmem:v45+s8+$0x0], $0xffff  }
0x15d: {  	v48 =	vor.u32 s13, v17;
	v20 =	vadd.f32 v22, v20  }
0x15e: {  	v22 =	vld.idx.msk [tilespmem:v46+s8+$0x0], $0xffff  }
0x15f: {  	v49 =	vor.u32 s13, v18;
	v20 =	vadd.f32 v23, v20  }
0x160: {  	v23 =	vld.idx.msk [tilespmem:v47+s8+$0x0], $0xffff  }
0x161: {  	v50 =	vor.u32 s13, v19;
	v20 =	vadd.f32 v21, v20  }
0x162: {  	v21 =	vld.idx.msk [tilespmem:v48+s8+$0x0], $0xffff  }
0x163: {  	v20 =	vadd.f32 v22, v20  }
0x164: {  	v22 =	vld.idx.msk [tilespmem:v49+s8+$0x0], $0xffff  }
0x165: {  	v20 =	vadd.f32 v23, v20  }
0x166: {  	v23 =	vld.idx.msk [tilespmem:v50+s8+$0x0], $0xffff  }
0x167: {  	v20 =	vadd.f32 v21, v20  }
0x168: {  	s14 =	simm.s32 $0x100  }
0x169: {  	v51 =	vor.u32 s14, v5;
	v21 =	vor.u32 s14, v1;
	v20 =	vadd.f32 v22, v20  }
0x16a: {  	v21 =	vand.u32 v4, v21  }
0x16b: {  	v20 =	vadd.f32 v23, v20  }
0x16c: {  	s13 =	simm.s32 $0x1C700;
	v22 =	vor.u32 s14, v6  }
0x16d: {  	[tilespmem:s13+$0x0] =	vst v20  }
0x16e: {  	v23 =	vor.u32 s14, v7;
	v20 =	vld.idx.msk [tilespmem:v51+s8+$0x0], $0xffff  }
0x16f: {  	v21 =	vld.idx.msk [tilespmem:v21+s8+$0x0], $0xffff  }
0x170: {  	v52 =	vor.u32 s14, v8  }
0x171: {  	v22 =	vld.idx.msk [tilespmem:v22+s8+$0x0], $0xffff  }
0x172: {  	v53 =	vor.u32 s14, v9  }
0x173: {  	v23 =	vld.idx.msk [tilespmem:v23+s8+$0x0], $0xffff  }
0x174: {  	v54 =	vor.u32 s14, v10;
	v20 =	vadd.f32 v20, v21  }
0x175: {  	v21 =	vld.idx.msk [tilespmem:v52+s8+$0x0], $0xffff  }
0x176: {  	v55 =	vor.u32 s14, v11;
	v20 =	vadd.f32 v22, v20  }
0x177: {  	v22 =	vld.idx.msk [tilespmem:v53+s8+$0x0], $0xffff  }
0x178: {  	v56 =	vor.u32 s14, v12;
	v20 =	vadd.f32 v23, v20  }
0x179: {  	v23 =	vld.idx.msk [tilespmem:v54+s8+$0x0], $0xffff  }
0x17a: {  	v57 =	vor.u32 s14, v13;
	v20 =	vadd.f32 v21, v20  }
0x17b: {  	v21 =	vld.idx.msk [tilespmem:v55+s8+$0x0], $0xffff  }
0x17c: {  	v58 =	vor.u32 s14, v14;
	v20 =	vadd.f32 v22, v20  }
0x17d: {  	v22 =	vld.idx.msk [tilespmem:v56+s8+$0x0], $0xffff  }
0x17e: {  	v59 =	vor.u32 s14, v15;
	v20 =	vadd.f32 v23, v20  }
0x17f: {  	v23 =	vld.idx.msk [tilespmem:v57+s8+$0x0], $0xffff  }
0x180: {  	v20 =	vadd.f32 v21, v20  }
0x181: {  	v60 =	vor.u32 s14, v16;
	v21 =	vld.idx.msk [tilespmem:v58+s8+$0x0], $0xffff  }
0x182: {  	v20 =	vadd.f32 v22, v20  }
0x183: {  	v61 =	vor.u32 s14, v17;
	v22 =	vld.idx.msk [tilespmem:v59+s8+$0x0], $0xffff  }
0x184: {  	v20 =	vadd.f32 v23, v20;
	_ =	sdelay $0x1  }
0x185: {  	v62 =	vor.u32 s14, v18;
	v23 =	vld.idx.msk [tilespmem:v60+s8+$0x0], $0xffff;
	v20 =	vadd.f32 v21, v20;
	_ =	sdelay $0x1  }
0x186: {  	v21 =	vld.idx.msk [tilespmem:v61+s8+$0x0], $0xffff;
	v20 =	vadd.f32 v22, v20;
	v22 =	vor.u32 s14, v19;
	_ =	sdelay $0x2  }
0x187: {  	v63 =	vld.idx.msk [tilespmem:v62+s8+$0x0], $0xffff;
	v20 =	vadd.f32 v23, v20;
	_ =	sdelay $0x1  }
0x188: {  	v23 =	vadd.f32 v21, v20;
	v21 =	vld.idx.msk [tilespmem:v22+s8+$0x0], $0xffff;
	_ =	sdelay $0x1  }
0x189: {  	s14 =	simm.s32 $0x200  }
0x18a: {  	s15 =	simm.s32 $0x300;
	v20 =	vor.u32 s14, v5;
	v22 =	vor.u32 s14, v1;
	v23 =	vadd.f32 v63, v23  }
.LBB2_7:
0x18b: {  	p0 =	sne.s32 s15, $0x3F00;
	v22 =	vand.u32 v4, v22  }
0x18c: {  	v21 =	vadd.f32 v21, v23  }
0x18d: {  	s13 =	sadd.s32 $0x10, s13;
	v23 =	vor.u32 s14, v6  }
0x18e: {  	[tilespmem:s13+$0x0] =	vst v21  }
0x18f: {  	v21 =	vor.u32 s14, v7;
	v20 =	vld.idx.msk [tilespmem:v20+s8+$0x0], $0xffff  }
0x190: {  	v22 =	vld.idx.msk [tilespmem:v22+s8+$0x0], $0xffff  }
0x191: {  	v24 =	vor.u32 s14, v8  }
0x192: {  	v23 =	vld.idx.msk [tilespmem:v23+s8+$0x0], $0xffff  }
0x193: {  	v25 =	vor.u32 s14, v9  }
0x194: {  	v21 =	vld.idx.msk [tilespmem:v21+s8+$0x0], $0xffff  }
0x195: {  	v26 =	vor.u32 s14, v10  }
0x196: {  	v20 =	vadd.f32 v20, v22;
	v22 =	vld.idx.msk [tilespmem:v24+s8+$0x0], $0xffff  }
0x197: {  	v24 =	vor.u32 s14, v11  }
0x198: {  	v20 =	vadd.f32 v23, v20;
	v23 =	vld.idx.msk [tilespmem:v25+s8+$0x0], $0xffff  }
0x199: {  	v25 =	vor.u32 s14, v12  }
0x19a: {  	v20 =	vadd.f32 v21, v20;
	v21 =	vld.idx.msk [tilespmem:v26+s8+$0x0], $0xffff  }
0x19b: {  	v26 =	vor.u32 s14, v13  }
0x19c: {  	v20 =	vadd.f32 v22, v20;
	v22 =	vld.idx.msk [tilespmem:v24+s8+$0x0], $0xffff  }
0x19d: {  	v24 =	vor.u32 s14, v14  }
0x19e: {  	v20 =	vadd.f32 v23, v20;
	v23 =	vld.idx.msk [tilespmem:v25+s8+$0x0], $0xffff  }
0x19f: {  	v25 =	vor.u32 s14, v15  }
0x1a0: {  	v20 =	vadd.f32 v21, v20;
	v21 =	vld.idx.msk [tilespmem:v26+s8+$0x0], $0xffff  }
0x1a1: {  	v26 =	vor.u32 s14, v16  }
0x1a2: {  	v20 =	vadd.f32 v22, v20;
	v22 =	vld.idx.msk [tilespmem:v24+s8+$0x0], $0xffff  }
0x1a3: {  	v24 =	vor.u32 s14, v17  }
0x1a4: {  	v20 =	vadd.f32 v23, v20;
	v23 =	vld.idx.msk [tilespmem:v25+s8+$0x0], $0xffff  }
0x1a5: {  	v25 =	vor.u32 s14, v18  }
0x1a6: {  	v20 =	vadd.f32 v21, v20;
	v21 =	vld.idx.msk [tilespmem:v26+s8+$0x0], $0xffff  }
0x1a7: {  	v26 =	vor.u32 s14, v19;
	s14 =	smov.u32 s15  }
0x1a8: {  	v20 =	vadd.f32 v22, v20;
	v22 =	vld.idx.msk [tilespmem:v24+s8+$0x0], $0xffff;
	_ =	sdelay $0x1  }
0x1a9: {  	v20 =	vadd.f32 v23, v20;
	v23 =	vld.idx.msk [tilespmem:v25+s8+$0x0], $0xffff;
	_ =	sdelay $0x1  }
.Ltmp2:
0x1aa: {  	v20 =	vadd.f32 v21, v20;
	v21 =	vld.idx.msk [tilespmem:v26+s8+$0x0], $0xffff;
	(pc) =	sbr.rel @p0 .LBB2_7-.Ltmp2, $3  }
0x1ab: {  	_ = 	snop  }
0x1ac: {  	v24 =	vadd.f32 v22, v20;
	_ =	sdelay $0x1  }
0x1ad: {  	s15 =	sadd.s32 $0x100, s15;
	v22 =	vor.u32 s14, v1;
	v20 =	vor.u32 s14, v5;
	v23 =	vadd.f32 v23, v24  }
0x1ae: {  	v22 =	vand.u32 v4, v22  }
0x1af: {  	v21 =	vadd.f32 v21, v23  }
0x1b0: {  	v41 =	vor.u32 s14, v6;
	s13 =	sadd.s32 $0x10, s13  }
0x1b1: {  	[tilespmem:s13+$0x0] =	vst v21  }
0x1b2: {  	v42 =	vor.u32 s14, v7;
	v20 =	vld.idx.msk [tilespmem:v20+s8+$0x0], $0xffff  }
0x1b3: {  	v22 =	vld.idx.msk [tilespmem:v22+s8+$0x0], $0xffff  }
0x1b4: {  	v24 =	vor.u32 s14, v8  }
0x1b5: {  	v23 =	vld.idx.msk [tilespmem:v41+s8+$0x0], $0xffff  }
0x1b6: {  	v25 =	vor.u32 s14, v9  }
0x1b7: {  	v21 =	vld.idx.msk [tilespmem:v42+s8+$0x0], $0xffff  }
0x1b8: {  	v26 =	vor.u32 s14, v10;
	v20 =	vadd.f32 v20, v22  }
0x1b9: {  	v43 =	vld.idx.msk [tilespmem:v24+s8+$0x0], $0xffff  }
0x1ba: {  	v44 =	vor.u32 s14, v11;
	v20 =	vadd.f32 v23, v20  }
0x1bb: {  	v45 =	vld.idx.msk [tilespmem:v25+s8+$0x0], $0xffff  }
0x1bc: {  	v46 =	vor.u32 s14, v12;
	v20 =	vadd.f32 v21, v20  }
0x1bd: {  	v47 =	vld.idx.msk [tilespmem:v26+s8+$0x0], $0xffff  }
0x1be: {  	v48 =	vor.u32 s14, v13;
	v20 =	vadd.f32 v43, v20  }
0x1bf: {  	v49 =	vld.idx.msk [tilespmem:v44+s8+$0x0], $0xffff  }
0x1c0: {  	v50 =	vor.u32 s14, v14;
	v20 =	vadd.f32 v45, v20  }
0x1c1: {  	v51 =	vld.idx.msk [tilespmem:v46+s8+$0x0], $0xffff  }
0x1c2: {  	v52 =	vor.u32 s14, v15;
	v20 =	vadd.f32 v47, v20  }
0x1c3: {  	v53 =	vld.idx.msk [tilespmem:v48+s8+$0x0], $0xffff  }
0x1c4: {  	v54 =	vor.u32 s14, v16;
	v20 =	vadd.f32 v49, v20  }
0x1c5: {  	v55 =	vld.idx.msk [tilespmem:v50+s8+$0x0], $0xffff  }
0x1c6: {  	v56 =	vor.u32 s14, v17;
	v20 =	vadd.f32 v51, v20  }
0x1c7: {  	v57 =	vld.idx.msk [tilespmem:v52+s8+$0x0], $0xffff  }
0x1c8: {  	v58 =	vor.u32 s14, v18;
	v20 =	vadd.f32 v53, v20  }
0x1c9: {  	v59 =	vld.idx.msk [tilespmem:v54+s8+$0x0], $0xffff  }
0x1ca: {  	v60 =	vor.u32 s14, v19;
	v20 =	vadd.f32 v55, v20  }
0x1cb: {  	v61 =	vld.idx.msk [tilespmem:v56+s8+$0x0], $0xffff  }
0x1cc: {  	v20 =	vadd.f32 v57, v20  }
0x1cd: {  	v62 =	vld.idx.msk [tilespmem:v58+s8+$0x0], $0xffff  }
0x1ce: {  	v20 =	vadd.f32 v59, v20  }
0x1cf: {  	v63 =	vld.idx.msk [tilespmem:v60+s8+$0x0], $0xffff  }
0x1d0: {  	v20 =	vadd.f32 v61, v20;
	_ =	sdelay $0x1  }
0x1d1: {  	v20 =	vadd.f32 v62, v20;
	_ =	sdelay $0x1  }
0x1d2: {  	s11 =	sadd.s32 $0x1, s11;
	v20 =	vadd.f32 v63, v20  }
0x1d3: {  	s12 =	sshll.u32 s12, $0x7;
	p0 =	sne.s32 s11, $0x20;
	s13 =	sadd.s32 $0x10, s13  }
.Ltmp3:
0x1d4: {  	s12 =	sadd.s32 s4, s12;
	[tilespmem:s13+$0x0] =	vst v20;
	(pc) =	sbr.rel @p0 .LBB2_2-.Ltmp3, $4  }
0x1d5: {  	[hbm4b:s12+s1] =	stream.linear.scatter [tilespmem:s9], [sflag:$0x1], $0x400, $0x38;
	[tilespmem:$0x1CB00] =	vst v63  }
0x1d6: {  	_ =	swait.ge [sflag:s7], $0x400  }
0x1d7: {  	[sflag:s7] =	ssyncset.done $0x0  }
0x1d8: {  	[sflag:s7] =	ssyncadd.s32 $0xFFFFFC00  }
0x1d9: {  	s10 =	sadd.s32 $0x1, s10  }
0x1da: {  	p0 =	sne.s32 s10, s6  }
.Ltmp4:
0x1db: {  	_ = 	snop;
	(pc) =	sbr.rel @p0 .LBB2_1-.Ltmp4, $1  }
0x1dc: {  	_ =	sdelay $0x3  }
0x1dd: {  	_ =	sfence.sel $0x180000  }
0x1de: {  	[bflag:$0x0] =	sbarrier.arrive $0xFFFF  }
0x1df: {  	p0 =	sne.s32 s3, $0x0;
	_ =	strace $0x90000047  }
0x1e0: {  	s0 =	sadd.s32 @!p0 $0x100000, s0;
	[bflag:$0x2] =	sbarrier.arrive $0xFFFF  }
0x1e1: {  	[sflag:s0] =	ssyncadd.tile.s32 @!p0 $0x1;
	_ =	shalt  }
.Lfunc_end2:
_tile_overlayer_lowered:
.L_overlay_start_2:
0x1e2: {  	(tag) =	ssettag $0x2  }
0x1e3: {  	s0 =	rddreg [dreg:$0x0];
	s2 =	stileid.u32  }
0x1e4: {  	s1 =	rddreg [dreg:$0x1];
	p0 =	sne.s32 s2, $0x0  }
0x1e5: {  	s3 =	rddreg [dreg:$0x2];
	[bflag:$0x3] =	sbarrier.arrive $0xFFFF;
	s2 =	simm.s32 @!p0 $0x1C01  }
0x1e6: {  	[timem:s3], [sflag:s2] =	dma.local @!p0 [hbm:s0], s1  }
0x1e7: {  	s0 =	simm.s32 @!p0 $0x1  }
0x1e8: {  	_ =	swait.ge @!p0 [sflag:s0], s1  }
0x1e9: {  	s1 =	ssub.s32 @!p0 $0x0, s1;
	[sflag:s0] =	ssyncset.done @!p0 $0x0  }
0x1ea: {  	[sflag:s0] =	ssyncadd.s32 @!p0 s1  }
0x1eb: {  	[bflag:$0x3] =	sbarrier.arrive $0xFFFF  }
0x1ec: {  	_ =	shalt  }

</sc_bundles>
